<compile_context>
chip_gen: v7x
topology: tpu7x:2x2x1
jax: 0.10.2.dev20260603
libtpu: 0.0.44.dev20260713+nightly
codegen_flags: <defaults>
</compile_context>

<pallas_src>
import functools

import jax
import jax.numpy as jnp
from jax import lax
from jax.experimental import pallas as pl
from jax.experimental.pallas import tpu as pltpu
from jax.experimental.pallas import tpu_sc as plsc

N = 10000
E = 320000
F_IN = 128
HID = 128
CLS = 10
G = 128

NC = 2
NS = 16
NW = NC * NS
EPW = E // NW
CH = 125
NCHUNK = EPW // CH
NPAD = 10240
ROWS_PER_TILE = NPAD // NS

_EPS = 1e-5


def _sc_edge_agg_body(x_hbm, src_hbm, dst_hbm, zeros_hbm, out_hbm,
                      src_v, dst_v, buf_v, acc_sh, sem):
    c = lax.axis_index("c")
    s = lax.axis_index("s")
    wid = s * NC + c

    pltpu.sync_copy(src_hbm.at[wid], src_v)
    pltpu.sync_copy(dst_hbm.at[wid], dst_v)

    pltpu.sync_copy(zeros_hbm, acc_sh.at[pl.ds(s * ROWS_PER_TILE, ROWS_PER_TILE)])
    plsc.subcore_barrier()

    def body(j, carry):
        pltpu.async_copy(x_hbm.at[src_v.at[j]], buf_v, sem).wait()
        pltpu.sync_copy(buf_v, acc_sh.at[dst_v.at[j]], add=True)
        return carry

    lax.fori_loop(0, NCHUNK, body, 0)
    plsc.subcore_barrier()

    pltpu.sync_copy(acc_sh.at[pl.ds(s * ROWS_PER_TILE, ROWS_PER_TILE)],
                    out_hbm.at[c, pl.ds(s * ROWS_PER_TILE, ROWS_PER_TILE)])


@functools.cache
def _sc_edge_agg():
    mesh = plsc.VectorSubcoreMesh(core_axis_name="c", subcore_axis_name="s",
                                  num_cores=NC, num_subcores=NS)
    return pl.kernel(
        _sc_edge_agg_body,
        out_type=jax.ShapeDtypeStruct((NC, NPAD, HID), jnp.float32),
        mesh=mesh,
        scratch_types=[
            pltpu.VMEM((NCHUNK, CH), jnp.int32),
            pltpu.VMEM((NCHUNK, CH), jnp.int32),
            pltpu.VMEM((CH, HID), jnp.float32),
            pltpu.VMEM_SHARED((NPAD, HID), jnp.float32),
            pltpu.SemaphoreType.DMA,
        ],
    )



def _bn_norm(z, g, b):
    mu = jnp.mean(z, axis=0, keepdims=True)
    var = jnp.mean((z - mu) * (z - mu), axis=0, keepdims=True)
    return g * (z - mu) / jnp.sqrt(var + _EPS) + b


def _pre_body(x_ref, g_ref, b_ref, w_ref, o_ref):
    xb = _bn_norm(x_ref[...], g_ref[...], b_ref[...])
    o_ref[...] = jnp.maximum(jnp.dot(xb, w_ref[...],
                                     preferred_element_type=jnp.float32), 0.0)


_pre_call = pl.pallas_call(
    _pre_body,
    out_shape=jax.ShapeDtypeStruct((N, HID), jnp.float32),
)


def _gin_body(x_ref, a_ref, w1_ref, b1_ref, g_ref, b_ref, w2_ref, b2_ref, o_ref):
    h = x_ref[...] + a_ref[0, :N] + a_ref[1, :N]
    z = jnp.dot(h, w1_ref[...], preferred_element_type=jnp.float32) + b1_ref[...]
    r = jnp.maximum(_bn_norm(z, g_ref[...], b_ref[...]), 0.0)
    o_ref[...] = jnp.maximum(
        jnp.dot(r, w2_ref[...], preferred_element_type=jnp.float32) + b2_ref[...],
        0.0)


_gin_call = pl.pallas_call(
    _gin_body,
    out_shape=jax.ShapeDtypeStruct((N, HID), jnp.float32),
)


def _head_body(x_ref, batch_ref, gw_ref, gb_ref,
               fg_ref, fb_ref, lw_ref, lb_ref,
               hg_ref, hb_ref, cw_ref, cb_ref, o_ref):
    x = x_ref[...]
    gate = jnp.sum(x * gw_ref[...], axis=1, keepdims=True) + gb_ref[...]
    gids = lax.broadcasted_iota(jnp.int32, (1, G), 1)
    m = (batch_ref[...] == gids).astype(jnp.float32)
    neg = jnp.float32(-1e30)
    gm = jnp.max(jnp.where(m > 0, gate, neg), axis=0, keepdims=True)
    gm_b = jnp.sum(m * gm, axis=1, keepdims=True)
    e = jnp.exp(gate - gm_b)
    ssum = jnp.sum(m * e, axis=0, keepdims=True)
    denom = jnp.sum(m * ssum, axis=1, keepdims=True) + 1e-16
    w = e / denom
    hg = lax.dot_general(m * w, x, (((0,), (0,)), ((), ())),
                         preferred_element_type=jnp.float32)
    h = _bn_norm(hg, fg_ref[...], fb_ref[...])
    h = jnp.maximum(jnp.dot(h, lw_ref[...],
                            preferred_element_type=jnp.float32) + lb_ref[...], 0.0)
    h = _bn_norm(h, hg_ref[...], hb_ref[...])
    logits = jnp.dot(h, cw_ref[...],
                     preferred_element_type=jnp.float32) + cb_ref[...]
    mx = jnp.max(logits, axis=1, keepdims=True)
    lse = mx + jnp.log(jnp.sum(jnp.exp(logits - mx), axis=1, keepdims=True))
    o_ref[...] = logits - lse


_head_call = pl.pallas_call(
    _head_body,
    out_shape=jax.ShapeDtypeStruct((G, CLS), jnp.float32),
)



def kernel(x, edge_index, batch, params):
    p = params
    row = lambda v: v.reshape(1, -1)

    src = edge_index[0].reshape(NW, NCHUNK, CH)
    dst = edge_index[1].reshape(NW, NCHUNK, CH)
    zeros = jnp.zeros((ROWS_PER_TILE, HID), jnp.float32)
    batch2 = batch.reshape(N, 1)

    h = _pre_call(x, row(p['bn_feat_g']), row(p['bn_feat_b']), p['W_feat'])
    for gp in p['gins']:
        agg = _sc_edge_agg()(h, src, dst, zeros)
        h = _gin_call(h, agg, gp['W1'], row(gp['b1']), row(gp['bn_g']),
                      row(gp['bn_b']), gp['W2'], row(gp['b2']))
    return _head_call(h, batch2, row(p['gate_W'][:, 0]), row(p['gate_b']),
                      row(p['bn_fc0_g']), row(p['bn_fc0_b']),
                      p['lin0_W'], row(p['lin0_b']),
                      row(p['bn_hid_g']), row(p['bn_hid_b']),
                      p['cls_W'], row(p['cls_b']))

# --- scband reference (transcript-rebuilt; emitter-appended) ---
"""Pipeline reference for scband-global-attention-net-55155970015560 (READ-ONLY COPY).

The authoritative reference and input builder live on the scoring server;
editing this copy changes nothing except your own understanding.
"""

import jax, jax.numpy as jnp
import numpy as np

N = 10000
E = 320000
F_IN = 128
HID = 128
CLS = 10
G = 128
NUM_CONV = 3

def _bn(x, g, b, eps=1e-5):
    mu = jnp.mean(x, axis=0, keepdims=True)
    var = jnp.var(x, axis=0, keepdims=True)
    return g * (x - mu) / jnp.sqrt(var + eps) + b

def _lin_init(k, fin, fout):
    bound = 1.0 / np.sqrt(fin)
    kw, kb = jax.random.split(k)
    W = jax.random.uniform(kw, (fin, fout), minval=-bound, maxval=bound, dtype=jnp.float32)
    b = jax.random.uniform(kb, (fout,), minval=-bound, maxval=bound, dtype=jnp.float32)
    return W, b

def setup_inputs(seed: int = 0):
    key = jax.random.key(seed)
    ks = jax.random.split(key, 64)
    x = jax.random.normal(ks[0], (N, F_IN), dtype=jnp.float32)
    edge_index = jax.random.randint(ks[1], (2, E), 0, N, dtype=jnp.int32)
    batch = jnp.sort(jax.random.randint(ks[2], (N,), 0, G, dtype=jnp.int32))
    p = {}
    p['bn_feat_g'] = jnp.ones((F_IN,), jnp.float32)
    p['bn_feat_b'] = jnp.full((F_IN,), 1e-4, jnp.float32)
    p['W_feat'] = jax.random.normal(ks[3], (F_IN, HID), dtype=jnp.float32) * (1.0 / np.sqrt(F_IN))
    gins = []
    for i in range(NUM_CONV):
        W1, b1 = _lin_init(ks[4 + 2 * i], HID, HID)
        W2, b2 = _lin_init(ks[5 + 2 * i], HID, HID)
        gins.append({'W1': W1, 'b1': b1, 'bn_g': jnp.ones((HID,), jnp.float32), 'bn_b': jnp.full((HID,), 1e-4, jnp.float32), 'W2': W2, 'b2': b2})
    p['gins'] = gins
    p['gate_W'], p['gate_b'] = _lin_init(ks[20], HID, 1)
    p['bn_fc0_g'] = jnp.ones((HID,), jnp.float32)
    p['bn_fc0_b'] = jnp.full((HID,), 1e-4, jnp.float32)
    p['lin0_W'], p['lin0_b'] = _lin_init(ks[21], HID, HID)
    p['bn_hid_g'] = jnp.ones((HID,), jnp.float32)
    p['bn_hid_b'] = jnp.full((HID,), 1e-4, jnp.float32)
    p['cls_W'], p['cls_b'] = _lin_init(ks[22], HID, CLS)
    return {'x': x, 'edge_index': edge_index, 'batch': batch, 'params': p}

def _forward(x, params, edge_index, batch):
    src, dst = edge_index[0], edge_index[1]
    # bn_feat (training-mode batch stats; gamma=1, beta=1e-4 per module init)
    x = _bn(x, params['bn_feat_g'], params['bn_feat_b'])
    # GCNConv with gfn=True reduces to x @ W (no propagation, no bias)
    x = jax.nn.relu(x @ params['W_feat'])
    # GINConv layers: nn((1+eps)*x + sum_{j in N(i)} x_j), eps=0
    for gp in params['gins']:
        agg = jax.ops.segment_sum(x[src], dst, num_segments=N)
        h = x + agg
        h = h @ gp['W1'] + gp['b1']
        h = _bn(h, gp['bn_g'], gp['bn_b'])
        h = jax.nn.relu(h)
        h = h @ gp['W2'] + gp['b2']
        x = jax.nn.relu(h)
    # GlobalAttention: gate = softmax over batch segments of gate_nn(x); pooled = segment_sum(gate*x)
    gate = x @ params['gate_W'] + params['gate_b']
    seg_max = jax.ops.segment_max(gate, batch, num_segments=G)
    gate = jnp.exp(gate - seg_max[batch])
    seg_sum = jax.ops.segment_sum(gate, batch, num_segments=G)
    gate = gate / (seg_sum[batch] + 1e-16)
    hg = jax.ops.segment_sum(gate * x, batch, num_segments=G)
    # FC head: (num_fc_layers - 1) = 1 block of BN + Linear + ReLU
    h = _bn(hg, params['bn_fc0_g'], params['bn_fc0_b'])
    h = jax.nn.relu(h @ params['lin0_W'] + params['lin0_b'])
    h = _bn(h, params['bn_hid_g'], params['bn_hid_b'])
    h = h @ params['cls_W'] + params['cls_b']
    return jax.nn.log_softmax(h, axis=-1)

def reference(x, edge_index, batch, params):
    return _forward(x, params, edge_index, batch)

if __name__ == "__main__":
    import jax
    _d = setup_inputs()
    print(jax.jit(kernel)(*tuple(_d.values())))

</pallas_src>

<mosaic_0001>
#map = affine_map<(d0, d1) -> (0, 0)>
#map1 = affine_map<(d0, d1) -> (0, 0, 0)>
module attributes {stable_mosaic.version = 14 : i64} {
  func.func @_sc_edge_agg_body(%arg0: i32, %arg1: i32, %arg2: memref<10000x128xf32, #tpu.memory_space<hbm>>, %arg3: memref<32x80x125xi32, #tpu.memory_space<hbm>>, %arg4: memref<32x80x125xi32, #tpu.memory_space<hbm>>, %arg5: memref<640x128xf32, #tpu.memory_space<hbm>>, %arg6: memref<2x10240x128xf32, #tpu.memory_space<hbm>>, %arg7: memref<80x125xi32, #tpu.memory_space<vmem>>, %arg8: memref<80x125xi32, #tpu.memory_space<vmem>>, %arg9: memref<125x128xf32, #tpu.memory_space<vmem>>, %arg10: memref<10240x128xf32, #tpu.memory_space<vmem_shared>>, %arg11: memref<!tpu.dma_semaphore, #tpu.memory_space<semaphore_mem>>) attributes {dimension_semantics = [#tpu.dimension_semantics<core_parallel>, #tpu.dimension_semantics<subcore_parallel>], iteration_bounds = array<i64: 2, 16>, scalar_prefetch = 0 : i64, scratch_operands = 5 : i64, tpu.core_type = #tpu.core_type<sc_vector_subcore>, window_params = [{transform_indices = #map}, {transform_indices = #map1}, {transform_indices = #map1}, {transform_indices = #map}, {transform_indices = #map1}]} {
    %mul3A = arith.constant 2 : i32
    %mul3A_0 = arith.muli %arg1, %mul3A : i32
    %add3A = arith.addi %mul3A_0, %arg0 : i32
    "tpu.region"() ({
      %run_scoped3A = tpu.sem_alloc : memref<!tpu.dma_semaphore, #tpu.memory_space<semaphore_mem>>
      %dma_start3A = arith.constant 0 : i32
      %dma_start3A_13 = arith.constant 0 : i32
      %dma_start3A_14 = tpu.memref_slice %arg3[%add3A, %dma_start3A, %dma_start3A_13] : memref<32x80x125xi32, #tpu.memory_space<hbm>> -> memref<1x80x125xi32, #tpu.memory_space<hbm>>
      %dma_start3A_15 = tpu.memref_squeeze %dma_start3A_14 : memref<1x80x125xi32, #tpu.memory_space<hbm>> -> memref<80x125xi32, #tpu.memory_space<hbm>>
      %dma_start3A_16 = arith.constant 0 : i32
      %dma_start3A_17 = arith.constant 0 : i32
      %dma_start3A_18 = tpu.memref_slice %arg3[%add3A, %dma_start3A_16, %dma_start3A_17] : memref<32x80x125xi32, #tpu.memory_space<hbm>> -> memref<1x80x125xi32, #tpu.memory_space<hbm>>
      %dma_start3A_19 = tpu.memref_squeeze %dma_start3A_18 : memref<1x80x125xi32, #tpu.memory_space<hbm>> -> memref<80x125xi32, #tpu.memory_space<hbm>>
      tpu.enqueue_dma source(%dma_start3A_19 : memref<80x125xi32, #tpu.memory_space<hbm>>) target(%arg7 : memref<80x125xi32, #tpu.memory_space<vmem>>) target_semaphore(%run_scoped3A : memref<!tpu.dma_semaphore, #tpu.memory_space<semaphore_mem>>)
      %dma_wait3A = arith.constant 0 : i32
      %dma_wait3A_20 = arith.constant 0 : i32
      %dma_wait3A_21 = tpu.memref_slice %arg3[%add3A, %dma_wait3A, %dma_wait3A_20] : memref<32x80x125xi32, #tpu.memory_space<hbm>> -> memref<1x80x125xi32, #tpu.memory_space<hbm>>
      %dma_wait3A_22 = tpu.memref_squeeze %dma_wait3A_21 : memref<1x80x125xi32, #tpu.memory_space<hbm>> -> memref<80x125xi32, #tpu.memory_space<hbm>>
      %dma_wait3A_23 = arith.constant 0 : i32
      %dma_wait3A_24 = arith.constant 0 : i32
      %dma_wait3A_25 = tpu.memref_slice %arg3[%add3A, %dma_wait3A_23, %dma_wait3A_24] : memref<32x80x125xi32, #tpu.memory_space<hbm>> -> memref<1x80x125xi32, #tpu.memory_space<hbm>>
      %dma_wait3A_26 = tpu.memref_squeeze %dma_wait3A_25 : memref<1x80x125xi32, #tpu.memory_space<hbm>> -> memref<80x125xi32, #tpu.memory_space<hbm>>
      tpu.wait_dma2 semaphore(%run_scoped3A : memref<!tpu.dma_semaphore, #tpu.memory_space<semaphore_mem>>) src(%dma_wait3A_26 : memref<80x125xi32, #tpu.memory_space<hbm>>) dst(%arg7 : memref<80x125xi32, #tpu.memory_space<vmem>>)
      tpu.yield
    }) : () -> ()
    "tpu.region"() ({
      %run_scoped3A = tpu.sem_alloc : memref<!tpu.dma_semaphore, #tpu.memory_space<semaphore_mem>>
      %dma_start3A = arith.constant 0 : i32
      %dma_start3A_13 = arith.constant 0 : i32
      %dma_start3A_14 = tpu.memref_slice %arg4[%add3A, %dma_start3A, %dma_start3A_13] : memref<32x80x125xi32, #tpu.memory_space<hbm>> -> memref<1x80x125xi32, #tpu.memory_space<hbm>>
      %dma_start3A_15 = tpu.memref_squeeze %dma_start3A_14 : memref<1x80x125xi32, #tpu.memory_space<hbm>> -> memref<80x125xi32, #tpu.memory_space<hbm>>
      %dma_start3A_16 = arith.constant 0 : i32
      %dma_start3A_17 = arith.constant 0 : i32
      %dma_start3A_18 = tpu.memref_slice %arg4[%add3A, %dma_start3A_16, %dma_start3A_17] : memref<32x80x125xi32, #tpu.memory_space<hbm>> -> memref<1x80x125xi32, #tpu.memory_space<hbm>>
      %dma_start3A_19 = tpu.memref_squeeze %dma_start3A_18 : memref<1x80x125xi32, #tpu.memory_space<hbm>> -> memref<80x125xi32, #tpu.memory_space<hbm>>
      tpu.enqueue_dma source(%dma_start3A_19 : memref<80x125xi32, #tpu.memory_space<hbm>>) target(%arg8 : memref<80x125xi32, #tpu.memory_space<vmem>>) target_semaphore(%run_scoped3A : memref<!tpu.dma_semaphore, #tpu.memory_space<semaphore_mem>>)
      %dma_wait3A = arith.constant 0 : i32
      %dma_wait3A_20 = arith.constant 0 : i32
      %dma_wait3A_21 = tpu.memref_slice %arg4[%add3A, %dma_wait3A, %dma_wait3A_20] : memref<32x80x125xi32, #tpu.memory_space<hbm>> -> memref<1x80x125xi32, #tpu.memory_space<hbm>>
      %dma_wait3A_22 = tpu.memref_squeeze %dma_wait3A_21 : memref<1x80x125xi32, #tpu.memory_space<hbm>> -> memref<80x125xi32, #tpu.memory_space<hbm>>
      %dma_wait3A_23 = arith.constant 0 : i32
      %dma_wait3A_24 = arith.constant 0 : i32
      %dma_wait3A_25 = tpu.memref_slice %arg4[%add3A, %dma_wait3A_23, %dma_wait3A_24] : memref<32x80x125xi32, #tpu.memory_space<hbm>> -> memref<1x80x125xi32, #tpu.memory_space<hbm>>
      %dma_wait3A_26 = tpu.memref_squeeze %dma_wait3A_25 : memref<1x80x125xi32, #tpu.memory_space<hbm>> -> memref<80x125xi32, #tpu.memory_space<hbm>>
      tpu.wait_dma2 semaphore(%run_scoped3A : memref<!tpu.dma_semaphore, #tpu.memory_space<semaphore_mem>>) src(%dma_wait3A_26 : memref<80x125xi32, #tpu.memory_space<hbm>>) dst(%arg8 : memref<80x125xi32, #tpu.memory_space<vmem>>)
      tpu.yield
    }) : () -> ()
    %mul3A_1 = arith.constant 640 : i32
    %mul3A_2 = arith.muli %arg1, %mul3A_1 : i32
    "tpu.region"() ({
      %run_scoped3A = tpu.sem_alloc : memref<!tpu.dma_semaphore, #tpu.memory_space<semaphore_mem>>
      %dma_start3A = arith.constant 0 : i32
      %dma_start3A_13 = tpu.memref_slice %arg10[%mul3A_2, %dma_start3A] : memref<10240x128xf32, #tpu.memory_space<vmem_shared>> -> memref<640x128xf32, #tpu.memory_space<vmem_shared>>
      tpu.enqueue_dma source(%arg5 : memref<640x128xf32, #tpu.memory_space<hbm>>) target(%dma_start3A_13 : memref<640x128xf32, #tpu.memory_space<vmem_shared>>) target_semaphore(%run_scoped3A : memref<!tpu.dma_semaphore, #tpu.memory_space<semaphore_mem>>)
      %dma_wait3A = arith.constant 0 : i32
      %dma_wait3A_14 = tpu.memref_slice %arg10[%mul3A_2, %dma_wait3A] : memref<10240x128xf32, #tpu.memory_space<vmem_shared>> -> memref<640x128xf32, #tpu.memory_space<vmem_shared>>
      tpu.wait_dma2 semaphore(%run_scoped3A : memref<!tpu.dma_semaphore, #tpu.memory_space<semaphore_mem>>) src(%arg5 : memref<640x128xf32, #tpu.memory_space<hbm>>) dst(%dma_wait3A_14 : memref<640x128xf32, #tpu.memory_space<vmem_shared>>)
      tpu.yield
    }) : () -> ()
    %barrier3A = arith.constant 0 : index
    tpu.barrier barrier_id(%barrier3A)
    %scan3A = arith.constant 0 : i32
    %scan3A_3 = arith.constant 0 : i32
    %scan3A_4 = arith.constant 80 : i32
    %scan3A_5 = arith.addi %scan3A_3, %scan3A_4 : i32
    %scan3A_6 = arith.constant 1 : i32
    scf.for %scan3A_13 = %scan3A_3 to %scan3A_5 step %scan3A_6  : i32 {
      %dma_start3A = arith.constant 0 : i32
      %dma_start3A_14 = tpu.memref_slice %arg7[%scan3A_13, %dma_start3A] : memref<80x125xi32, #tpu.memory_space<vmem>> -> memref<1x125xi32, #tpu.memory_space<vmem>>
      %dma_start3A_15 = tpu.memref_squeeze %dma_start3A_14 : memref<1x125xi32, #tpu.memory_space<vmem>> -> memref<125xi32, #tpu.memory_space<vmem>>
      %dma_start3A_16 = arith.constant 0 : i32
      %dma_start3A_17 = arith.constant 0 : i32
      %dma_start3A_18 = tpu.memref_slice %arg2[%dma_start3A_16, %dma_start3A_17] : memref<10000x128xf32, #tpu.memory_space<hbm>> -> memref<10000x128xf32, #tpu.memory_space<hbm>>
      tpu.enqueue_indirect_dma source(%dma_start3A_18 : memref<10000x128xf32, #tpu.memory_space<hbm>>) target(%arg9 : memref<125x128xf32, #tpu.memory_space<vmem>>) offsets(%dma_start3A_15 : memref<125xi32, #tpu.memory_space<vmem>>) semaphore(%arg11 : memref<!tpu.dma_semaphore, #tpu.memory_space<semaphore_mem>>)
      %dma_wait3A = arith.constant 0 : i32
      %dma_wait3A_19 = tpu.memref_slice %arg7[%scan3A_13, %dma_wait3A] : memref<80x125xi32, #tpu.memory_space<vmem>> -> memref<1x125xi32, #tpu.memory_space<vmem>>
      %dma_wait3A_20 = tpu.memref_squeeze %dma_wait3A_19 : memref<1x125xi32, #tpu.memory_space<vmem>> -> memref<125xi32, #tpu.memory_space<vmem>>
      %dma_wait3A_21 = arith.constant 0 : i32
      %dma_wait3A_22 = arith.constant 0 : i32
      %dma_wait3A_23 = tpu.memref_slice %arg2[%dma_wait3A_21, %dma_wait3A_22] : memref<10000x128xf32, #tpu.memory_space<hbm>> -> memref<10000x128xf32, #tpu.memory_space<hbm>>
      tpu.wait_indirect_dma semaphore(%arg11 : memref<!tpu.dma_semaphore, #tpu.memory_space<semaphore_mem>>) src(%dma_wait3A_23 : memref<10000x128xf32, #tpu.memory_space<hbm>>) dst(%arg9 : memref<125x128xf32, #tpu.memory_space<vmem>>)
      "tpu.region"() ({
        %run_scoped3A = tpu.sem_alloc : memref<!tpu.dma_semaphore, #tpu.memory_space<semaphore_mem>>
        %dma_start3A_24 = arith.constant 0 : i32
        %dma_start3A_25 = tpu.memref_slice %arg8[%scan3A_13, %dma_start3A_24] : memref<80x125xi32, #tpu.memory_space<vmem>> -> memref<1x125xi32, #tpu.memory_space<vmem>>
        %dma_start3A_26 = tpu.memref_squeeze %dma_start3A_25 : memref<1x125xi32, #tpu.memory_space<vmem>> -> memref<125xi32, #tpu.memory_space<vmem>>
        %dma_start3A_27 = arith.constant 0 : i32
        %dma_start3A_28 = arith.constant 0 : i32
        %dma_start3A_29 = tpu.memref_slice %arg10[%dma_start3A_27, %dma_start3A_28] : memref<10240x128xf32, #tpu.memory_space<vmem_shared>> -> memref<10240x128xf32, #tpu.memory_space<vmem_shared>>
        tpu.enqueue_indirect_dma source(%arg9 : memref<125x128xf32, #tpu.memory_space<vmem>>) target(%dma_start3A_29 : memref<10240x128xf32, #tpu.memory_space<vmem_shared>>) offsets(%dma_start3A_26 : memref<125xi32, #tpu.memory_space<vmem>>) semaphore(%run_scoped3A : memref<!tpu.dma_semaphore, #tpu.memory_space<semaphore_mem>>) {add = true}
        %dma_wait3A_30 = arith.constant 0 : i32
        %dma_wait3A_31 = tpu.memref_slice %arg8[%scan3A_13, %dma_wait3A_30] : memref<80x125xi32, #tpu.memory_space<vmem>> -> memref<1x125xi32, #tpu.memory_space<vmem>>
        %dma_wait3A_32 = tpu.memref_squeeze %dma_wait3A_31 : memref<1x125xi32, #tpu.memory_space<vmem>> -> memref<125xi32, #tpu.memory_space<vmem>>
        %dma_wait3A_33 = arith.constant 0 : i32
        %dma_wait3A_34 = arith.constant 0 : i32
        %dma_wait3A_35 = tpu.memref_slice %arg10[%dma_wait3A_33, %dma_wait3A_34] : memref<10240x128xf32, #tpu.memory_space<vmem_shared>> -> memref<10240x128xf32, #tpu.memory_space<vmem_shared>>
        tpu.wait_indirect_dma semaphore(%run_scoped3A : memref<!tpu.dma_semaphore, #tpu.memory_space<semaphore_mem>>) src(%arg9 : memref<125x128xf32, #tpu.memory_space<vmem>>) dst(%dma_wait3A_35 : memref<10240x128xf32, #tpu.memory_space<vmem_shared>>)
        tpu.yield
      }) : () -> ()
    }
    %scan3A_7 = arith.constant 80 : i32
    %barrier3A_8 = arith.constant 0 : index
    tpu.barrier barrier_id(%barrier3A_8)
    %mul3A_9 = arith.constant 640 : i32
    %mul3A_10 = arith.muli %arg1, %mul3A_9 : i32
    %mul3A_11 = arith.constant 640 : i32
    %mul3A_12 = arith.muli %arg1, %mul3A_11 : i32
    "tpu.region"() ({
      %run_scoped3A = tpu.sem_alloc : memref<!tpu.dma_semaphore, #tpu.memory_space<semaphore_mem>>
      %dma_start3A = arith.constant 0 : i32
      %dma_start3A_13 = tpu.memref_slice %arg6[%arg0, %mul3A_12, %dma_start3A] : memref<2x10240x128xf32, #tpu.memory_space<hbm>> -> memref<1x640x128xf32, #tpu.memory_space<hbm>>
      %dma_start3A_14 = tpu.memref_squeeze %dma_start3A_13 : memref<1x640x128xf32, #tpu.memory_space<hbm>> -> memref<640x128xf32, #tpu.memory_space<hbm>>
      %dma_start3A_15 = arith.constant 0 : i32
      %dma_start3A_16 = tpu.memref_slice %arg10[%mul3A_10, %dma_start3A_15] : memref<10240x128xf32, #tpu.memory_space<vmem_shared>> -> memref<640x128xf32, #tpu.memory_space<vmem_shared>>
      tpu.enqueue_dma source(%dma_start3A_16 : memref<640x128xf32, #tpu.memory_space<vmem_shared>>) target(%dma_start3A_14 : memref<640x128xf32, #tpu.memory_space<hbm>>) target_semaphore(%run_scoped3A : memref<!tpu.dma_semaphore, #tpu.memory_space<semaphore_mem>>)
      %dma_wait3A = arith.constant 0 : i32
      %dma_wait3A_17 = tpu.memref_slice %arg6[%arg0, %mul3A_12, %dma_wait3A] : memref<2x10240x128xf32, #tpu.memory_space<hbm>> -> memref<1x640x128xf32, #tpu.memory_space<hbm>>
      %dma_wait3A_18 = tpu.memref_squeeze %dma_wait3A_17 : memref<1x640x128xf32, #tpu.memory_space<hbm>> -> memref<640x128xf32, #tpu.memory_space<hbm>>
      %dma_wait3A_19 = arith.constant 0 : i32
      %dma_wait3A_20 = tpu.memref_slice %arg10[%mul3A_10, %dma_wait3A_19] : memref<10240x128xf32, #tpu.memory_space<vmem_shared>> -> memref<640x128xf32, #tpu.memory_space<vmem_shared>>
      tpu.wait_dma2 semaphore(%run_scoped3A : memref<!tpu.dma_semaphore, #tpu.memory_space<semaphore_mem>>) src(%dma_wait3A_20 : memref<640x128xf32, #tpu.memory_space<vmem_shared>>) dst(%dma_wait3A_18 : memref<640x128xf32, #tpu.memory_space<hbm>>)
      tpu.yield
    }) : () -> ()
    return
  }
}

#map = affine_map<(d0, d1) -> (0, 0)>
#map1 = affine_map<(d0, d1) -> (0, 0, 0)>
module attributes {stable_mosaic.version = 14 : i64} {
  func.func @_sc_edge_agg_body(%arg0: i32, %arg1: i32, %arg2: memref<10000x128xf32, #tpu.memory_space<hbm>>, %arg3: memref<32x80x125xi32, #tpu.memory_space<hbm>>, %arg4: memref<32x80x125xi32, #tpu.memory_space<hbm>>, %arg5: memref<640x128xf32, #tpu.memory_space<hbm>>, %arg6: memref<2x10240x128xf32, #tpu.memory_space<hbm>>, %arg7: memref<80x125xi32, #tpu.memory_space<vmem>>, %arg8: memref<80x125xi32, #tpu.memory_space<vmem>>, %arg9: memref<125x128xf32, #tpu.memory_space<vmem>>, %arg10: memref<10240x128xf32, #tpu.memory_space<vmem_shared>>, %arg11: memref<!tpu.dma_semaphore, #tpu.memory_space<semaphore_mem>>) attributes {dimension_semantics = [#tpu.dimension_semantics<core_parallel>, #tpu.dimension_semantics<subcore_parallel>], iteration_bounds = array<i64: 2, 16>, scalar_prefetch = 0 : i64, scratch_operands = 5 : i64, tpu.core_type = #tpu.core_type<sc_vector_subcore>, window_params = [{transform_indices = #map}, {transform_indices = #map1}, {transform_indices = #map1}, {transform_indices = #map}, {transform_indices = #map1}]} {
    %mul3A = arith.constant 2 : i32
    %mul3A_0 = arith.muli %arg1, %mul3A : i32
    %add3A = arith.addi %mul3A_0, %arg0 : i32
    "tpu.region"() ({
      %run_scoped3A = tpu.sem_alloc : memref<!tpu.dma_semaphore, #tpu.memory_space<semaphore_mem>>
      %dma_start3A = arith.constant 0 : i32
      %dma_start3A_13 = arith.constant 0 : i32
      %dma_start3A_14 = tpu.memref_slice %arg3[%add3A, %dma_start3A, %dma_start3A_13] : memref<32x80x125xi32, #tpu.memory_space<hbm>> -> memref<1x80x125xi32, #tpu.memory_space<hbm>>
      %dma_start3A_15 = tpu.memref_squeeze %dma_start3A_14 : memref<1x80x125xi32, #tpu.memory_space<hbm>> -> memref<80x125xi32, #tpu.memory_space<hbm>>
      %dma_start3A_16 = arith.constant 0 : i32
      %dma_start3A_17 = arith.constant 0 : i32
      %dma_start3A_18 = tpu.memref_slice %arg3[%add3A, %dma_start3A_16, %dma_start3A_17] : memref<32x80x125xi32, #tpu.memory_space<hbm>> -> memref<1x80x125xi32, #tpu.memory_space<hbm>>
      %dma_start3A_19 = tpu.memref_squeeze %dma_start3A_18 : memref<1x80x125xi32, #tpu.memory_space<hbm>> -> memref<80x125xi32, #tpu.memory_space<hbm>>
      tpu.enqueue_dma source(%dma_start3A_19 : memref<80x125xi32, #tpu.memory_space<hbm>>) target(%arg7 : memref<80x125xi32, #tpu.memory_space<vmem>>) target_semaphore(%run_scoped3A : memref<!tpu.dma_semaphore, #tpu.memory_space<semaphore_mem>>)
      %dma_wait3A = arith.constant 0 : i32
      %dma_wait3A_20 = arith.constant 0 : i32
      %dma_wait3A_21 = tpu.memref_slice %arg3[%add3A, %dma_wait3A, %dma_wait3A_20] : memref<32x80x125xi32, #tpu.memory_space<hbm>> -> memref<1x80x125xi32, #tpu.memory_space<hbm>>
      %dma_wait3A_22 = tpu.memref_squeeze %dma_wait3A_21 : memref<1x80x125xi32, #tpu.memory_space<hbm>> -> memref<80x125xi32, #tpu.memory_space<hbm>>
      %dma_wait3A_23 = arith.constant 0 : i32
      %dma_wait3A_24 = arith.constant 0 : i32
      %dma_wait3A_25 = tpu.memref_slice %arg3[%add3A, %dma_wait3A_23, %dma_wait3A_24] : memref<32x80x125xi32, #tpu.memory_space<hbm>> -> memref<1x80x125xi32, #tpu.memory_space<hbm>>
      %dma_wait3A_26 = tpu.memref_squeeze %dma_wait3A_25 : memref<1x80x125xi32, #tpu.memory_space<hbm>> -> memref<80x125xi32, #tpu.memory_space<hbm>>
      tpu.wait_dma2 semaphore(%run_scoped3A : memref<!tpu.dma_semaphore, #tpu.memory_space<semaphore_mem>>) src(%dma_wait3A_26 : memref<80x125xi32, #tpu.memory_space<hbm>>) dst(%arg7 : memref<80x125xi32, #tpu.memory_space<vmem>>)
      tpu.yield
    }) : () -> ()
    "tpu.region"() ({
      %run_scoped3A = tpu.sem_alloc : memref<!tpu.dma_semaphore, #tpu.memory_space<semaphore_mem>>
      %dma_start3A = arith.constant 0 : i32
      %dma_start3A_13 = arith.constant 0 : i32
      %dma_start3A_14 = tpu.memref_slice %arg4[%add3A, %dma_start3A, %dma_start3A_13] : memref<32x80x125xi32, #tpu.memory_space<hbm>> -> memref<1x80x125xi32, #tpu.memory_space<hbm>>
      %dma_start3A_15 = tpu.memref_squeeze %dma_start3A_14 : memref<1x80x125xi32, #tpu.memory_space<hbm>> -> memref<80x125xi32, #tpu.memory_space<hbm>>
      %dma_start3A_16 = arith.constant 0 : i32
      %dma_start3A_17 = arith.constant 0 : i32
      %dma_start3A_18 = tpu.memref_slice %arg4[%add3A, %dma_start3A_16, %dma_start3A_17] : memref<32x80x125xi32, #tpu.memory_space<hbm>> -> memref<1x80x125xi32, #tpu.memory_space<hbm>>
      %dma_start3A_19 = tpu.memref_squeeze %dma_start3A_18 : memref<1x80x125xi32, #tpu.memory_space<hbm>> -> memref<80x125xi32, #tpu.memory_space<hbm>>
      tpu.enqueue_dma source(%dma_start3A_19 : memref<80x125xi32, #tpu.memory_space<hbm>>) target(%arg8 : memref<80x125xi32, #tpu.memory_space<vmem>>) target_semaphore(%run_scoped3A : memref<!tpu.dma_semaphore, #tpu.memory_space<semaphore_mem>>)
      %dma_wait3A = arith.constant 0 : i32
      %dma_wait3A_20 = arith.constant 0 : i32
      %dma_wait3A_21 = tpu.memref_slice %arg4[%add3A, %dma_wait3A, %dma_wait3A_20] : memref<32x80x125xi32, #tpu.memory_space<hbm>> -> memref<1x80x125xi32, #tpu.memory_space<hbm>>
      %dma_wait3A_22 = tpu.memref_squeeze %dma_wait3A_21 : memref<1x80x125xi32, #tpu.memory_space<hbm>> -> memref<80x125xi32, #tpu.memory_space<hbm>>
      %dma_wait3A_23 = arith.constant 0 : i32
      %dma_wait3A_24 = arith.constant 0 : i32
      %dma_wait3A_25 = tpu.memref_slice %arg4[%add3A, %dma_wait3A_23, %dma_wait3A_24] : memref<32x80x125xi32, #tpu.memory_space<hbm>> -> memref<1x80x125xi32, #tpu.memory_space<hbm>>
      %dma_wait3A_26 = tpu.memref_squeeze %dma_wait3A_25 : memref<1x80x125xi32, #tpu.memory_space<hbm>> -> memref<80x125xi32, #tpu.memory_space<hbm>>
      tpu.wait_dma2 semaphore(%run_scoped3A : memref<!tpu.dma_semaphore, #tpu.memory_space<semaphore_mem>>) src(%dma_wait3A_26 : memref<80x125xi32, #tpu.memory_space<hbm>>) dst(%arg8 : memref<80x125xi32, #tpu.memory_space<vmem>>)
      tpu.yield
    }) : () -> ()
    %mul3A_1 = arith.constant 640 : i32
    %mul3A_2 = arith.muli %arg1, %mul3A_1 : i32
    "tpu.region"() ({
      %run_scoped3A = tpu.sem_alloc : memref<!tpu.dma_semaphore, #tpu.memory_space<semaphore_mem>>
      %dma_start3A = arith.constant 0 : i32
      %dma_start3A_13 = tpu.memref_slice %arg10[%mul3A_2, %dma_start3A] : memref<10240x128xf32, #tpu.memory_space<vmem_shared>> -> memref<640x128xf32, #tpu.memory_space<vmem_shared>>
      tpu.enqueue_dma source(%arg5 : memref<640x128xf32, #tpu.memory_space<hbm>>) target(%dma_start3A_13 : memref<640x128xf32, #tpu.memory_space<vmem_shared>>) target_semaphore(%run_scoped3A : memref<!tpu.dma_semaphore, #tpu.memory_space<semaphore_mem>>)
      %dma_wait3A = arith.constant 0 : i32
      %dma_wait3A_14 = tpu.memref_slice %arg10[%mul3A_2, %dma_wait3A] : memref<10240x128xf32, #tpu.memory_space<vmem_shared>> -> memref<640x128xf32, #tpu.memory_space<vmem_shared>>
      tpu.wait_dma2 semaphore(%run_scoped3A : memref<!tpu.dma_semaphore, #tpu.memory_space<semaphore_mem>>) src(%arg5 : memref<640x128xf32, #tpu.memory_space<hbm>>) dst(%dma_wait3A_14 : memref<640x128xf32, #tpu.memory_space<vmem_shared>>)
      tpu.yield
    }) : () -> ()
    %barrier3A = arith.constant 0 : index
    tpu.barrier barrier_id(%barrier3A)
    %scan3A = arith.constant 0 : i32
    %scan3A_3 = arith.constant 0 : i32
    %scan3A_4 = arith.constant 80 : i32
    %scan3A_5 = arith.addi %scan3A_3, %scan3A_4 : i32
    %scan3A_6 = arith.constant 1 : i32
    scf.for %scan3A_13 = %scan3A_3 to %scan3A_5 step %scan3A_6  : i32 {
      %dma_start3A = arith.constant 0 : i32
      %dma_start3A_14 = tpu.memref_slice %arg7[%scan3A_13, %dma_start3A] : memref<80x125xi32, #tpu.memory_space<vmem>> -> memref<1x125xi32, #tpu.memory_space<vmem>>
      %dma_start3A_15 = tpu.memref_squeeze %dma_start3A_14 : memref<1x125xi32, #tpu.memory_space<vmem>> -> memref<125xi32, #tpu.memory_space<vmem>>
      %dma_start3A_16 = arith.constant 0 : i32
      %dma_start3A_17 = arith.constant 0 : i32
      %dma_start3A_18 = tpu.memref_slice %arg2[%dma_start3A_16, %dma_start3A_17] : memref<10000x128xf32, #tpu.memory_space<hbm>> -> memref<10000x128xf32, #tpu.memory_space<hbm>>
      tpu.enqueue_indirect_dma source(%dma_start3A_18 : memref<10000x128xf32, #tpu.memory_space<hbm>>) target(%arg9 : memref<125x128xf32, #tpu.memory_space<vmem>>) offsets(%dma_start3A_15 : memref<125xi32, #tpu.memory_space<vmem>>) semaphore(%arg11 : memref<!tpu.dma_semaphore, #tpu.memory_space<semaphore_mem>>)
      %dma_wait3A = arith.constant 0 : i32
      %dma_wait3A_19 = tpu.memref_slice %arg7[%scan3A_13, %dma_wait3A] : memref<80x125xi32, #tpu.memory_space<vmem>> -> memref<1x125xi32, #tpu.memory_space<vmem>>
      %dma_wait3A_20 = tpu.memref_squeeze %dma_wait3A_19 : memref<1x125xi32, #tpu.memory_space<vmem>> -> memref<125xi32, #tpu.memory_space<vmem>>
      %dma_wait3A_21 = arith.constant 0 : i32
      %dma_wait3A_22 = arith.constant 0 : i32
      %dma_wait3A_23 = tpu.memref_slice %arg2[%dma_wait3A_21, %dma_wait3A_22] : memref<10000x128xf32, #tpu.memory_space<hbm>> -> memref<10000x128xf32, #tpu.memory_space<hbm>>
      tpu.wait_indirect_dma semaphore(%arg11 : memref<!tpu.dma_semaphore, #tpu.memory_space<semaphore_mem>>) src(%dma_wait3A_23 : memref<10000x128xf32, #tpu.memory_space<hbm>>) dst(%arg9 : memref<125x128xf32, #tpu.memory_space<vmem>>)
      "tpu.region"() ({
        %run_scoped3A = tpu.sem_alloc : memref<!tpu.dma_semaphore, #tpu.memory_space<semaphore_mem>>
        %dma_start3A_24 = arith.constant 0 : i32
        %dma_start3A_25 = tpu.memref_slice %arg8[%scan3A_13, %dma_start3A_24] : memref<80x125xi32, #tpu.memory_space<vmem>> -> memref<1x125xi32, #tpu.memory_space<vmem>>
        %dma_start3A_26 = tpu.memref_squeeze %dma_start3A_25 : memref<1x125xi32, #tpu.memory_space<vmem>> -> memref<125xi32, #tpu.memory_space<vmem>>
        %dma_start3A_27 = arith.constant 0 : i32
        %dma_start3A_28 = arith.constant 0 : i32
        %dma_start3A_29 = tpu.memref_slice %arg10[%dma_start3A_27, %dma_start3A_28] : memref<10240x128xf32, #tpu.memory_space<vmem_shared>> -> memref<10240x128xf32, #tpu.memory_space<vmem_shared>>
        tpu.enqueue_indirect_dma source(%arg9 : memref<125x128xf32, #tpu.memory_space<vmem>>) target(%dma_start3A_29 : memref<10240x128xf32, #tpu.memory_space<vmem_shared>>) offsets(%dma_start3A_26 : memref<125xi32, #tpu.memory_space<vmem>>) semaphore(%run_scoped3A : memref<!tpu.dma_semaphore, #tpu.memory_space<semaphore_mem>>) {add = true}
        %dma_wait3A_30 = arith.constant 0 : i32
        %dma_wait3A_31 = tpu.memref_slice %arg8[%scan3A_13, %dma_wait3A_30] : memref<80x125xi32, #tpu.memory_space<vmem>> -> memref<1x125xi32, #tpu.memory_space<vmem>>
        %dma_wait3A_32 = tpu.memref_squeeze %dma_wait3A_31 : memref<1x125xi32, #tpu.memory_space<vmem>> -> memref<125xi32, #tpu.memory_space<vmem>>
        %dma_wait3A_33 = arith.constant 0 : i32
        %dma_wait3A_34 = arith.constant 0 : i32
        %dma_wait3A_35 = tpu.memref_slice %arg10[%dma_wait3A_33, %dma_wait3A_34] : memref<10240x128xf32, #tpu.memory_space<vmem_shared>> -> memref<10240x128xf32, #tpu.memory_space<vmem_shared>>
        tpu.wait_indirect_dma semaphore(%run_scoped3A : memref<!tpu.dma_semaphore, #tpu.memory_space<semaphore_mem>>) src(%arg9 : memref<125x128xf32, #tpu.memory_space<vmem>>) dst(%dma_wait3A_35 : memref<10240x128xf32, #tpu.memory_space<vmem_shared>>)
        tpu.yield
      }) : () -> ()
    }
    %scan3A_7 = arith.constant 80 : i32
    %barrier3A_8 = arith.constant 0 : index
    tpu.barrier barrier_id(%barrier3A_8)
    %mul3A_9 = arith.constant 640 : i32
    %mul3A_10 = arith.muli %arg1, %mul3A_9 : i32
    %mul3A_11 = arith.constant 640 : i32
    %mul3A_12 = arith.muli %arg1, %mul3A_11 : i32
    "tpu.region"() ({
      %run_scoped3A = tpu.sem_alloc : memref<!tpu.dma_semaphore, #tpu.memory_space<semaphore_mem>>
      %dma_start3A = arith.constant 0 : i32
      %dma_start3A_13 = tpu.memref_slice %arg6[%arg0, %mul3A_12, %dma_start3A] : memref<2x10240x128xf32, #tpu.memory_space<hbm>> -> memref<1x640x128xf32, #tpu.memory_space<hbm>>
      %dma_start3A_14 = tpu.memref_squeeze %dma_start3A_13 : memref<1x640x128xf32, #tpu.memory_space<hbm>> -> memref<640x128xf32, #tpu.memory_space<hbm>>
      %dma_start3A_15 = arith.constant 0 : i32
      %dma_start3A_16 = tpu.memref_slice %arg10[%mul3A_10, %dma_start3A_15] : memref<10240x128xf32, #tpu.memory_space<vmem_shared>> -> memref<640x128xf32, #tpu.memory_space<vmem_shared>>
      tpu.enqueue_dma source(%dma_start3A_16 : memref<640x128xf32, #tpu.memory_space<vmem_shared>>) target(%dma_start3A_14 : memref<640x128xf32, #tpu.memory_space<hbm>>) target_semaphore(%run_scoped3A : memref<!tpu.dma_semaphore, #tpu.memory_space<semaphore_mem>>)
      %dma_wait3A = arith.constant 0 : i32
      %dma_wait3A_17 = tpu.memref_slice %arg6[%arg0, %mul3A_12, %dma_wait3A] : memref<2x10240x128xf32, #tpu.memory_space<hbm>> -> memref<1x640x128xf32, #tpu.memory_space<hbm>>
      %dma_wait3A_18 = tpu.memref_squeeze %dma_wait3A_17 : memref<1x640x128xf32, #tpu.memory_space<hbm>> -> memref<640x128xf32, #tpu.memory_space<hbm>>
      %dma_wait3A_19 = arith.constant 0 : i32
      %dma_wait3A_20 = tpu.memref_slice %arg10[%mul3A_10, %dma_wait3A_19] : memref<10240x128xf32, #tpu.memory_space<vmem_shared>> -> memref<640x128xf32, #tpu.memory_space<vmem_shared>>
      tpu.wait_dma2 semaphore(%run_scoped3A : memref<!tpu.dma_semaphore, #tpu.memory_space<semaphore_mem>>) src(%dma_wait3A_20 : memref<640x128xf32, #tpu.memory_space<vmem_shared>>) dst(%dma_wait3A_18 : memref<640x128xf32, #tpu.memory_space<hbm>>)
      tpu.yield
    }) : () -> ()
    return
  }
}

#map = affine_map<(d0, d1) -> (0, 0)>
#map1 = affine_map<(d0, d1) -> (0, 0, 0)>
module attributes {stable_mosaic.version = 14 : i64} {
  func.func @_sc_edge_agg_body(%arg0: i32, %arg1: i32, %arg2: memref<10000x128xf32, #tpu.memory_space<hbm>>, %arg3: memref<32x80x125xi32, #tpu.memory_space<hbm>>, %arg4: memref<32x80x125xi32, #tpu.memory_space<hbm>>, %arg5: memref<640x128xf32, #tpu.memory_space<hbm>>, %arg6: memref<2x10240x128xf32, #tpu.memory_space<hbm>>, %arg7: memref<80x125xi32, #tpu.memory_space<vmem>>, %arg8: memref<80x125xi32, #tpu.memory_space<vmem>>, %arg9: memref<125x128xf32, #tpu.memory_space<vmem>>, %arg10: memref<10240x128xf32, #tpu.memory_space<vmem_shared>>, %arg11: memref<!tpu.dma_semaphore, #tpu.memory_space<semaphore_mem>>) attributes {dimension_semantics = [#tpu.dimension_semantics<core_parallel>, #tpu.dimension_semantics<subcore_parallel>], iteration_bounds = array<i64: 2, 16>, scalar_prefetch = 0 : i64, scratch_operands = 5 : i64, tpu.core_type = #tpu.core_type<sc_vector_subcore>, window_params = [{transform_indices = #map}, {transform_indices = #map1}, {transform_indices = #map1}, {transform_indices = #map}, {transform_indices = #map1}]} {
    %mul3A = arith.constant 2 : i32
    %mul3A_0 = arith.muli %arg1, %mul3A : i32
    %add3A = arith.addi %mul3A_0, %arg0 : i32
    "tpu.region"() ({
      %run_scoped3A = tpu.sem_alloc : memref<!tpu.dma_semaphore, #tpu.memory_space<semaphore_mem>>
      %dma_start3A = arith.constant 0 : i32
      %dma_start3A_13 = arith.constant 0 : i32
      %dma_start3A_14 = tpu.memref_slice %arg3[%add3A, %dma_start3A, %dma_start3A_13] : memref<32x80x125xi32, #tpu.memory_space<hbm>> -> memref<1x80x125xi32, #tpu.memory_space<hbm>>
      %dma_start3A_15 = tpu.memref_squeeze %dma_start3A_14 : memref<1x80x125xi32, #tpu.memory_space<hbm>> -> memref<80x125xi32, #tpu.memory_space<hbm>>
      %dma_start3A_16 = arith.constant 0 : i32
      %dma_start3A_17 = arith.constant 0 : i32
      %dma_start3A_18 = tpu.memref_slice %arg3[%add3A, %dma_start3A_16, %dma_start3A_17] : memref<32x80x125xi32, #tpu.memory_space<hbm>> -> memref<1x80x125xi32, #tpu.memory_space<hbm>>
      %dma_start3A_19 = tpu.memref_squeeze %dma_start3A_18 : memref<1x80x125xi32, #tpu.memory_space<hbm>> -> memref<80x125xi32, #tpu.memory_space<hbm>>
      tpu.enqueue_dma source(%dma_start3A_19 : memref<80x125xi32, #tpu.memory_space<hbm>>) target(%arg7 : memref<80x125xi32, #tpu.memory_space<vmem>>) target_semaphore(%run_scoped3A : memref<!tpu.dma_semaphore, #tpu.memory_space<semaphore_mem>>)
      %dma_wait3A = arith.constant 0 : i32
      %dma_wait3A_20 = arith.constant 0 : i32
      %dma_wait3A_21 = tpu.memref_slice %arg3[%add3A, %dma_wait3A, %dma_wait3A_20] : memref<32x80x125xi32, #tpu.memory_space<hbm>> -> memref<1x80x125xi32, #tpu.memory_space<hbm>>
      %dma_wait3A_22 = tpu.memref_squeeze %dma_wait3A_21 : memref<1x80x125xi32, #tpu.memory_space<hbm>> -> memref<80x125xi32, #tpu.memory_space<hbm>>
      %dma_wait3A_23 = arith.constant 0 : i32
      %dma_wait3A_24 = arith.constant 0 : i32
      %dma_wait3A_25 = tpu.memref_slice %arg3[%add3A, %dma_wait3A_23, %dma_wait3A_24] : memref<32x80x125xi32, #tpu.memory_space<hbm>> -> memref<1x80x125xi32, #tpu.memory_space<hbm>>
      %dma_wait3A_26 = tpu.memref_squeeze %dma_wait3A_25 : memref<1x80x125xi32, #tpu.memory_space<hbm>> -> memref<80x125xi32, #tpu.memory_space<hbm>>
      tpu.wait_dma2 semaphore(%run_scoped3A : memref<!tpu.dma_semaphore, #tpu.memory_space<semaphore_mem>>) src(%dma_wait3A_26 : memref<80x125xi32, #tpu.memory_space<hbm>>) dst(%arg7 : memref<80x125xi32, #tpu.memory_space<vmem>>)
      tpu.yield
    }) : () -> ()
    "tpu.region"() ({
      %run_scoped3A = tpu.sem_alloc : memref<!tpu.dma_semaphore, #tpu.memory_space<semaphore_mem>>
      %dma_start3A = arith.constant 0 : i32
      %dma_start3A_13 = arith.constant 0 : i32
      %dma_start3A_14 = tpu.memref_slice %arg4[%add3A, %dma_start3A, %dma_start3A_13] : memref<32x80x125xi32, #tpu.memory_space<hbm>> -> memref<1x80x125xi32, #tpu.memory_space<hbm>>
      %dma_start3A_15 = tpu.memref_squeeze %dma_start3A_14 : memref<1x80x125xi32, #tpu.memory_space<hbm>> -> memref<80x125xi32, #tpu.memory_space<hbm>>
      %dma_start3A_16 = arith.constant 0 : i32
      %dma_start3A_17 = arith.constant 0 : i32
      %dma_start3A_18 = tpu.memref_slice %arg4[%add3A, %dma_start3A_16, %dma_start3A_17] : memref<32x80x125xi32, #tpu.memory_space<hbm>> -> memref<1x80x125xi32, #tpu.memory_space<hbm>>
      %dma_start3A_19 = tpu.memref_squeeze %dma_start3A_18 : memref<1x80x125xi32, #tpu.memory_space<hbm>> -> memref<80x125xi32, #tpu.memory_space<hbm>>
      tpu.enqueue_dma source(%dma_start3A_19 : memref<80x125xi32, #tpu.memory_space<hbm>>) target(%arg8 : memref<80x125xi32, #tpu.memory_space<vmem>>) target_semaphore(%run_scoped3A : memref<!tpu.dma_semaphore, #tpu.memory_space<semaphore_mem>>)
      %dma_wait3A = arith.constant 0 : i32
      %dma_wait3A_20 = arith.constant 0 : i32
      %dma_wait3A_21 = tpu.memref_slice %arg4[%add3A, %dma_wait3A, %dma_wait3A_20] : memref<32x80x125xi32, #tpu.memory_space<hbm>> -> memref<1x80x125xi32, #tpu.memory_space<hbm>>
      %dma_wait3A_22 = tpu.memref_squeeze %dma_wait3A_21 : memref<1x80x125xi32, #tpu.memory_space<hbm>> -> memref<80x125xi32, #tpu.memory_space<hbm>>
      %dma_wait3A_23 = arith.constant 0 : i32
      %dma_wait3A_24 = arith.constant 0 : i32
      %dma_wait3A_25 = tpu.memref_slice %arg4[%add3A, %dma_wait3A_23, %dma_wait3A_24] : memref<32x80x125xi32, #tpu.memory_space<hbm>> -> memref<1x80x125xi32, #tpu.memory_space<hbm>>
      %dma_wait3A_26 = tpu.memref_squeeze %dma_wait3A_25 : memref<1x80x125xi32, #tpu.memory_space<hbm>> -> memref<80x125xi32, #tpu.memory_space<hbm>>
      tpu.wait_dma2 semaphore(%run_scoped3A : memref<!tpu.dma_semaphore, #tpu.memory_space<semaphore_mem>>) src(%dma_wait3A_26 : memref<80x125xi32, #tpu.memory_space<hbm>>) dst(%arg8 : memref<80x125xi32, #tpu.memory_space<vmem>>)
      tpu.yield
    }) : () -> ()
    %mul3A_1 = arith.constant 640 : i32
    %mul3A_2 = arith.muli %arg1, %mul3A_1 : i32
    "tpu.region"() ({
      %run_scoped3A = tpu.sem_alloc : memref<!tpu.dma_semaphore, #tpu.memory_space<semaphore_mem>>
      %dma_start3A = arith.constant 0 : i32
      %dma_start3A_13 = tpu.memref_slice %arg10[%mul3A_2, %dma_start3A] : memref<10240x128xf32, #tpu.memory_space<vmem_shared>> -> memref<640x128xf32, #tpu.memory_space<vmem_shared>>
      tpu.enqueue_dma source(%arg5 : memref<640x128xf32, #tpu.memory_space<hbm>>) target(%dma_start3A_13 : memref<640x128xf32, #tpu.memory_space<vmem_shared>>) target_semaphore(%run_scoped3A : memref<!tpu.dma_semaphore, #tpu.memory_space<semaphore_mem>>)
      %dma_wait3A = arith.constant 0 : i32
      %dma_wait3A_14 = tpu.memref_slice %arg10[%mul3A_2, %dma_wait3A] : memref<10240x128xf32, #tpu.memory_space<vmem_shared>> -> memref<640x128xf32, #tpu.memory_space<vmem_shared>>
      tpu.wait_dma2 semaphore(%run_scoped3A : memref<!tpu.dma_semaphore, #tpu.memory_space<semaphore_mem>>) src(%arg5 : memref<640x128xf32, #tpu.memory_space<hbm>>) dst(%dma_wait3A_14 : memref<640x128xf32, #tpu.memory_space<vmem_shared>>)
      tpu.yield
    }) : () -> ()
    %barrier3A = arith.constant 0 : index
    tpu.barrier barrier_id(%barrier3A)
    %scan3A = arith.constant 0 : i32
    %scan3A_3 = arith.constant 0 : i32
    %scan3A_4 = arith.constant 80 : i32
    %scan3A_5 = arith.addi %scan3A_3, %scan3A_4 : i32
    %scan3A_6 = arith.constant 1 : i32
    scf.for %scan3A_13 = %scan3A_3 to %scan3A_5 step %scan3A_6  : i32 {
      %dma_start3A = arith.constant 0 : i32
      %dma_start3A_14 = tpu.memref_slice %arg7[%scan3A_13, %dma_start3A] : memref<80x125xi32, #tpu.memory_space<vmem>> -> memref<1x125xi32, #tpu.memory_space<vmem>>
      %dma_start3A_15 = tpu.memref_squeeze %dma_start3A_14 : memref<1x125xi32, #tpu.memory_space<vmem>> -> memref<125xi32, #tpu.memory_space<vmem>>
      %dma_start3A_16 = arith.constant 0 : i32
      %dma_start3A_17 = arith.constant 0 : i32
      %dma_start3A_18 = tpu.memref_slice %arg2[%dma_start3A_16, %dma_start3A_17] : memref<10000x128xf32, #tpu.memory_space<hbm>> -> memref<10000x128xf32, #tpu.memory_space<hbm>>
      tpu.enqueue_indirect_dma source(%dma_start3A_18 : memref<10000x128xf32, #tpu.memory_space<hbm>>) target(%arg9 : memref<125x128xf32, #tpu.memory_space<vmem>>) offsets(%dma_start3A_15 : memref<125xi32, #tpu.memory_space<vmem>>) semaphore(%arg11 : memref<!tpu.dma_semaphore, #tpu.memory_space<semaphore_mem>>)
      %dma_wait3A = arith.constant 0 : i32
      %dma_wait3A_19 = tpu.memref_slice %arg7[%scan3A_13, %dma_wait3A] : memref<80x125xi32, #tpu.memory_space<vmem>> -> memref<1x125xi32, #tpu.memory_space<vmem>>
      %dma_wait3A_20 = tpu.memref_squeeze %dma_wait3A_19 : memref<1x125xi32, #tpu.memory_space<vmem>> -> memref<125xi32, #tpu.memory_space<vmem>>
      %dma_wait3A_21 = arith.constant 0 : i32
      %dma_wait3A_22 = arith.constant 0 : i32
      %dma_wait3A_23 = tpu.memref_slice %arg2[%dma_wait3A_21, %dma_wait3A_22] : memref<10000x128xf32, #tpu.memory_space<hbm>> -> memref<10000x128xf32, #tpu.memory_space<hbm>>
      tpu.wait_indirect_dma semaphore(%arg11 : memref<!tpu.dma_semaphore, #tpu.memory_space<semaphore_mem>>) src(%dma_wait3A_23 : memref<10000x128xf32, #tpu.memory_space<hbm>>) dst(%arg9 : memref<125x128xf32, #tpu.memory_space<vmem>>)
      "tpu.region"() ({
        %run_scoped3A = tpu.sem_alloc : memref<!tpu.dma_semaphore, #tpu.memory_space<semaphore_mem>>
        %dma_start3A_24 = arith.constant 0 : i32
        %dma_start3A_25 = tpu.memref_slice %arg8[%scan3A_13, %dma_start3A_24] : memref<80x125xi32, #tpu.memory_space<vmem>> -> memref<1x125xi32, #tpu.memory_space<vmem>>
        %dma_start3A_26 = tpu.memref_squeeze %dma_start3A_25 : memref<1x125xi32, #tpu.memory_space<vmem>> -> memref<125xi32, #tpu.memory_space<vmem>>
        %dma_start3A_27 = arith.constant 0 : i32
        %dma_start3A_28 = arith.constant 0 : i32
        %dma_start3A_29 = tpu.memref_slice %arg10[%dma_start3A_27, %dma_start3A_28] : memref<10240x128xf32, #tpu.memory_space<vmem_shared>> -> memref<10240x128xf32, #tpu.memory_space<vmem_shared>>
        tpu.enqueue_indirect_dma source(%arg9 : memref<125x128xf32, #tpu.memory_space<vmem>>) target(%dma_start3A_29 : memref<10240x128xf32, #tpu.memory_space<vmem_shared>>) offsets(%dma_start3A_26 : memref<125xi32, #tpu.memory_space<vmem>>) semaphore(%run_scoped3A : memref<!tpu.dma_semaphore, #tpu.memory_space<semaphore_mem>>) {add = true}
        %dma_wait3A_30 = arith.constant 0 : i32
        %dma_wait3A_31 = tpu.memref_slice %arg8[%scan3A_13, %dma_wait3A_30] : memref<80x125xi32, #tpu.memory_space<vmem>> -> memref<1x125xi32, #tpu.memory_space<vmem>>
        %dma_wait3A_32 = tpu.memref_squeeze %dma_wait3A_31 : memref<1x125xi32, #tpu.memory_space<vmem>> -> memref<125xi32, #tpu.memory_space<vmem>>
        %dma_wait3A_33 = arith.constant 0 : i32
        %dma_wait3A_34 = arith.constant 0 : i32
        %dma_wait3A_35 = tpu.memref_slice %arg10[%dma_wait3A_33, %dma_wait3A_34] : memref<10240x128xf32, #tpu.memory_space<vmem_shared>> -> memref<10240x128xf32, #tpu.memory_space<vmem_shared>>
        tpu.wait_indirect_dma semaphore(%run_scoped3A : memref<!tpu.dma_semaphore, #tpu.memory_space<semaphore_mem>>) src(%arg9 : memref<125x128xf32, #tpu.memory_space<vmem>>) dst(%dma_wait3A_35 : memref<10240x128xf32, #tpu.memory_space<vmem_shared>>)
        tpu.yield
      }) : () -> ()
    }
    %scan3A_7 = arith.constant 80 : i32
    %barrier3A_8 = arith.constant 0 : index
    tpu.barrier barrier_id(%barrier3A_8)
    %mul3A_9 = arith.constant 640 : i32
    %mul3A_10 = arith.muli %arg1, %mul3A_9 : i32
    %mul3A_11 = arith.constant 640 : i32
    %mul3A_12 = arith.muli %arg1, %mul3A_11 : i32
    "tpu.region"() ({
      %run_scoped3A = tpu.sem_alloc : memref<!tpu.dma_semaphore, #tpu.memory_space<semaphore_mem>>
      %dma_start3A = arith.constant 0 : i32
      %dma_start3A_13 = tpu.memref_slice %arg6[%arg0, %mul3A_12, %dma_start3A] : memref<2x10240x128xf32, #tpu.memory_space<hbm>> -> memref<1x640x128xf32, #tpu.memory_space<hbm>>
      %dma_start3A_14 = tpu.memref_squeeze %dma_start3A_13 : memref<1x640x128xf32, #tpu.memory_space<hbm>> -> memref<640x128xf32, #tpu.memory_space<hbm>>
      %dma_start3A_15 = arith.constant 0 : i32
      %dma_start3A_16 = tpu.memref_slice %arg10[%mul3A_10, %dma_start3A_15] : memref<10240x128xf32, #tpu.memory_space<vmem_shared>> -> memref<640x128xf32, #tpu.memory_space<vmem_shared>>
      tpu.enqueue_dma source(%dma_start3A_16 : memref<640x128xf32, #tpu.memory_space<vmem_shared>>) target(%dma_start3A_14 : memref<640x128xf32, #tpu.memory_space<hbm>>) target_semaphore(%run_scoped3A : memref<!tpu.dma_semaphore, #tpu.memory_space<semaphore_mem>>)
      %dma_wait3A = arith.constant 0 : i32
      %dma_wait3A_17 = tpu.memref_slice %arg6[%arg0, %mul3A_12, %dma_wait3A] : memref<2x10240x128xf32, #tpu.memory_space<hbm>> -> memref<1x640x128xf32, #tpu.memory_space<hbm>>
      %dma_wait3A_18 = tpu.memref_squeeze %dma_wait3A_17 : memref<1x640x128xf32, #tpu.memory_space<hbm>> -> memref<640x128xf32, #tpu.memory_space<hbm>>
      %dma_wait3A_19 = arith.constant 0 : i32
      %dma_wait3A_20 = tpu.memref_slice %arg10[%mul3A_10, %dma_wait3A_19] : memref<10240x128xf32, #tpu.memory_space<vmem_shared>> -> memref<640x128xf32, #tpu.memory_space<vmem_shared>>
      tpu.wait_dma2 semaphore(%run_scoped3A : memref<!tpu.dma_semaphore, #tpu.memory_space<semaphore_mem>>) src(%dma_wait3A_20 : memref<640x128xf32, #tpu.memory_space<vmem_shared>>) dst(%dma_wait3A_18 : memref<640x128xf32, #tpu.memory_space<hbm>>)
      tpu.yield
    }) : () -> ()
    return
  }
}

module attributes {stable_mosaic.version = 14 : i64} {
  func.func @_pre_body(%arg0: memref<10000x128xf32, #tpu.memory_space<vmem>>, %arg1: memref<1x128xf32, #tpu.memory_space<vmem>>, %arg2: memref<1x128xf32, #tpu.memory_space<vmem>>, %arg3: memref<128x128xf32, #tpu.memory_space<vmem>>, %arg4: memref<10000x128xf32, #tpu.memory_space<vmem>>) attributes {dimension_semantics = [], scalar_prefetch = 0 : i64, scratch_operands = 0 : i64, tpu.core_type = #tpu.core_type<tc>} {
    %get3A = arith.constant 0 : index
    %get3A_0 = arith.constant 0 : index
    %get3A_1 = vector.load %arg0[%get3A, %get3A_0] : memref<10000x128xf32, #tpu.memory_space<vmem>>, vector<10000x128xf32>
    %get3A_2 = arith.constant 0 : index
    %get3A_3 = arith.constant 0 : index
    %get3A_4 = vector.load %arg1[%get3A_2, %get3A_3] : memref<1x128xf32, #tpu.memory_space<vmem>>, vector<1x128xf32>
    %get3A_5 = arith.constant 0 : index
    %get3A_6 = arith.constant 0 : index
    %get3A_7 = vector.load %arg2[%get3A_5, %get3A_6] : memref<1x128xf32, #tpu.memory_space<vmem>>, vector<1x128xf32>
    %reduce_sum3A = arith.constant dense<0.000000e+00> : vector<128xf32>
    %reduce_sum3A_8 = vector.multi_reduction <add>, %get3A_1, %reduce_sum3A [0] : vector<10000x128xf32> to vector<128xf32>
    %broadcast_in_dim3A = vector.shape_cast %reduce_sum3A_8 : vector<128xf32> to vector<1x128xf32>
    %div3A = arith.constant 1.000000e+04 : f32
    %div3A_9 = vector.broadcast %div3A : f32 to vector<1x128xf32>
    %div3A_10 = arith.divf %broadcast_in_dim3A, %div3A_9 : vector<1x128xf32>
    %sub3A = vector.broadcast %div3A_10 : vector<1x128xf32> to vector<10000x128xf32>
    %sub3A_11 = arith.subf %get3A_1, %sub3A : vector<10000x128xf32>
    %sub3A_12 = vector.broadcast %div3A_10 : vector<1x128xf32> to vector<10000x128xf32>
    %sub3A_13 = arith.subf %get3A_1, %sub3A_12 : vector<10000x128xf32>
    %mul3A = arith.mulf %sub3A_11, %sub3A_13 : vector<10000x128xf32>
    %reduce_sum3A_14 = arith.constant dense<0.000000e+00> : vector<128xf32>
    %reduce_sum3A_15 = vector.multi_reduction <add>, %mul3A, %reduce_sum3A_14 [0] : vector<10000x128xf32> to vector<128xf32>
    %broadcast_in_dim3A_16 = vector.shape_cast %reduce_sum3A_15 : vector<128xf32> to vector<1x128xf32>
    %div3A_17 = arith.constant 1.000000e+04 : f32
    %div3A_18 = vector.broadcast %div3A_17 : f32 to vector<1x128xf32>
    %div3A_19 = arith.divf %broadcast_in_dim3A_16, %div3A_18 : vector<1x128xf32>
    %sub3A_20 = vector.broadcast %div3A_10 : vector<1x128xf32> to vector<10000x128xf32>
    %sub3A_21 = arith.subf %get3A_1, %sub3A_20 : vector<10000x128xf32>
    %mul3A_22 = vector.broadcast %get3A_4 : vector<1x128xf32> to vector<10000x128xf32>
    %mul3A_23 = arith.mulf %mul3A_22, %sub3A_21 : vector<10000x128xf32>
    %add3A = arith.constant 9.99999974E-6 : f32
    %add3A_24 = vector.broadcast %add3A : f32 to vector<1x128xf32>
    %add3A_25 = arith.addf %div3A_19, %add3A_24 : vector<1x128xf32>
    %sqrt3A = math.sqrt %add3A_25 : vector<1x128xf32>
    %div3A_26 = vector.broadcast %sqrt3A : vector<1x128xf32> to vector<10000x128xf32>
    %div3A_27 = arith.divf %mul3A_23, %div3A_26 : vector<10000x128xf32>
    %add3A_28 = vector.broadcast %get3A_7 : vector<1x128xf32> to vector<10000x128xf32>
    %add3A_29 = arith.addf %div3A_27, %add3A_28 : vector<10000x128xf32>
    %get3A_30 = arith.constant 0 : index
    %get3A_31 = arith.constant 0 : index
    %get3A_32 = vector.load %arg3[%get3A_30, %get3A_31] : memref<128x128xf32, #tpu.memory_space<vmem>>, vector<128x128xf32>
    %dot_general3A = arith.constant dense<0.000000e+00> : vector<10000x128xf32>
    %dot_general3A_33 = tpu.matmul %add3A_29, %get3A_32, %dot_general3A {dimension_numbers = #tpu.dot_dimension_numbers<[1], [0], [0], [1], [0, 0, 1, 1], [], []>, transpose_lhs_hint = false} : vector<10000x128xf32>, vector<128x128xf32>, vector<10000x128xf32> -> vector<10000x128xf32>
    %max3A = arith.constant 0.000000e+00 : f32
    %max3A_34 = vector.broadcast %max3A : f32 to vector<10000x128xf32>
    %max3A_35 = arith.maximumf %dot_general3A_33, %max3A_34 : vector<10000x128xf32>
    %swap3A = arith.constant 0 : index
    %swap3A_36 = arith.constant 0 : index
    %swap3A_37 = vector.load %arg4[%swap3A, %swap3A_36] : memref<10000x128xf32, #tpu.memory_space<vmem>>, vector<10000x128xf32>
    tpu.vector_store %arg4[%swap3A, %swap3A_36], %max3A_35 {strides = array<i32>} : memref<10000x128xf32, #tpu.memory_space<vmem>>, vector<10000x128xf32>,
    return
  }
}

module attributes {stable_mosaic.version = 14 : i64} {
  func.func @_gin_body(%arg0: memref<10000x128xf32, #tpu.memory_space<vmem>>, %arg1: memref<2x10240x128xf32, #tpu.memory_space<vmem>>, %arg2: memref<128x128xf32, #tpu.memory_space<vmem>>, %arg3: memref<1x128xf32, #tpu.memory_space<vmem>>, %arg4: memref<1x128xf32, #tpu.memory_space<vmem>>, %arg5: memref<1x128xf32, #tpu.memory_space<vmem>>, %arg6: memref<128x128xf32, #tpu.memory_space<vmem>>, %arg7: memref<1x128xf32, #tpu.memory_space<vmem>>, %arg8: memref<10000x128xf32, #tpu.memory_space<vmem>>) attributes {dimension_semantics = [], scalar_prefetch = 0 : i64, scratch_operands = 0 : i64, tpu.core_type = #tpu.core_type<tc>} {
    %get3A = arith.constant 0 : index
    %get3A_0 = arith.constant 0 : index
    %get3A_1 = vector.load %arg0[%get3A, %get3A_0] : memref<10000x128xf32, #tpu.memory_space<vmem>>, vector<10000x128xf32>
    %get3A_2 = arith.constant 0 : index
    %get3A_3 = arith.constant 0 : index
    %get3A_4 = arith.constant 0 : index
    %get3A_5 = vector.load %arg1[%get3A_2, %get3A_3, %get3A_4] : memref<2x10240x128xf32, #tpu.memory_space<vmem>>, vector<1x10000x128xf32>
    %get3A_6 = vector.shape_cast %get3A_5 : vector<1x10000x128xf32> to vector<10000x128xf32>
    %add3A = arith.addf %get3A_1, %get3A_6 : vector<10000x128xf32>
    %get3A_7 = arith.constant 1 : index
    %get3A_8 = arith.constant 0 : index
    %get3A_9 = arith.constant 0 : index
    %get3A_10 = vector.load %arg1[%get3A_7, %get3A_8, %get3A_9] : memref<2x10240x128xf32, #tpu.memory_space<vmem>>, vector<1x10000x128xf32>
    %get3A_11 = vector.shape_cast %get3A_10 : vector<1x10000x128xf32> to vector<10000x128xf32>
    %add3A_12 = arith.addf %add3A, %get3A_11 : vector<10000x128xf32>
    %get3A_13 = arith.constant 0 : index
    %get3A_14 = arith.constant 0 : index
    %get3A_15 = vector.load %arg2[%get3A_13, %get3A_14] : memref<128x128xf32, #tpu.memory_space<vmem>>, vector<128x128xf32>
    %dot_general3A = arith.constant dense<0.000000e+00> : vector<10000x128xf32>
    %dot_general3A_16 = tpu.matmul %add3A_12, %get3A_15, %dot_general3A {dimension_numbers = #tpu.dot_dimension_numbers<[1], [0], [0], [1], [0, 0, 1, 1], [], []>, transpose_lhs_hint = false} : vector<10000x128xf32>, vector<128x128xf32>, vector<10000x128xf32> -> vector<10000x128xf32>
    %get3A_17 = arith.constant 0 : index
    %get3A_18 = arith.constant 0 : index
    %get3A_19 = vector.load %arg3[%get3A_17, %get3A_18] : memref<1x128xf32, #tpu.memory_space<vmem>>, vector<1x128xf32>
    %add3A_20 = vector.broadcast %get3A_19 : vector<1x128xf32> to vector<10000x128xf32>
    %add3A_21 = arith.addf %dot_general3A_16, %add3A_20 : vector<10000x128xf32>
    %get3A_22 = arith.constant 0 : index
    %get3A_23 = arith.constant 0 : index
    %get3A_24 = vector.load %arg4[%get3A_22, %get3A_23] : memref<1x128xf32, #tpu.memory_space<vmem>>, vector<1x128xf32>
    %get3A_25 = arith.constant 0 : index
    %get3A_26 = arith.constant 0 : index
    %get3A_27 = vector.load %arg5[%get3A_25, %get3A_26] : memref<1x128xf32, #tpu.memory_space<vmem>>, vector<1x128xf32>
    %reduce_sum3A = arith.constant dense<0.000000e+00> : vector<128xf32>
    %reduce_sum3A_28 = vector.multi_reduction <add>, %add3A_21, %reduce_sum3A [0] : vector<10000x128xf32> to vector<128xf32>
    %broadcast_in_dim3A = vector.shape_cast %reduce_sum3A_28 : vector<128xf32> to vector<1x128xf32>
    %div3A = arith.constant 1.000000e+04 : f32
    %div3A_29 = vector.broadcast %div3A : f32 to vector<1x128xf32>
    %div3A_30 = arith.divf %broadcast_in_dim3A, %div3A_29 : vector<1x128xf32>
    %sub3A = vector.broadcast %div3A_30 : vector<1x128xf32> to vector<10000x128xf32>
    %sub3A_31 = arith.subf %add3A_21, %sub3A : vector<10000x128xf32>
    %sub3A_32 = vector.broadcast %div3A_30 : vector<1x128xf32> to vector<10000x128xf32>
    %sub3A_33 = arith.subf %add3A_21, %sub3A_32 : vector<10000x128xf32>
    %mul3A = arith.mulf %sub3A_31, %sub3A_33 : vector<10000x128xf32>
    %reduce_sum3A_34 = arith.constant dense<0.000000e+00> : vector<128xf32>
    %reduce_sum3A_35 = vector.multi_reduction <add>, %mul3A, %reduce_sum3A_34 [0] : vector<10000x128xf32> to vector<128xf32>
    %broadcast_in_dim3A_36 = vector.shape_cast %reduce_sum3A_35 : vector<128xf32> to vector<1x128xf32>
    %div3A_37 = arith.constant 1.000000e+04 : f32
    %div3A_38 = vector.broadcast %div3A_37 : f32 to vector<1x128xf32>
    %div3A_39 = arith.divf %broadcast_in_dim3A_36, %div3A_38 : vector<1x128xf32>
    %sub3A_40 = vector.broadcast %div3A_30 : vector<1x128xf32> to vector<10000x128xf32>
    %sub3A_41 = arith.subf %add3A_21, %sub3A_40 : vector<10000x128xf32>
    %mul3A_42 = vector.broadcast %get3A_24 : vector<1x128xf32> to vector<10000x128xf32>
    %mul3A_43 = arith.mulf %mul3A_42, %sub3A_41 : vector<10000x128xf32>
    %add3A_44 = arith.constant 9.99999974E-6 : f32
    %add3A_45 = vector.broadcast %add3A_44 : f32 to vector<1x128xf32>
    %add3A_46 = arith.addf %div3A_39, %add3A_45 : vector<1x128xf32>
    %sqrt3A = math.sqrt %add3A_46 : vector<1x128xf32>
    %div3A_47 = vector.broadcast %sqrt3A : vector<1x128xf32> to vector<10000x128xf32>
    %div3A_48 = arith.divf %mul3A_43, %div3A_47 : vector<10000x128xf32>
    %add3A_49 = vector.broadcast %get3A_27 : vector<1x128xf32> to vector<10000x128xf32>
    %add3A_50 = arith.addf %div3A_48, %add3A_49 : vector<10000x128xf32>
    %max3A = arith.constant 0.000000e+00 : f32
    %max3A_51 = vector.broadcast %max3A : f32 to vector<10000x128xf32>
    %max3A_52 = arith.maximumf %add3A_50, %max3A_51 : vector<10000x128xf32>
    %get3A_53 = arith.constant 0 : index
    %get3A_54 = arith.constant 0 : index
    %get3A_55 = vector.load %arg6[%get3A_53, %get3A_54] : memref<128x128xf32, #tpu.memory_space<vmem>>, vector<128x128xf32>
    %dot_general3A_56 = arith.constant dense<0.000000e+00> : vector<10000x128xf32>
    %dot_general3A_57 = tpu.matmul %max3A_52, %get3A_55, %dot_general3A_56 {dimension_numbers = #tpu.dot_dimension_numbers<[1], [0], [0], [1], [0, 0, 1, 1], [], []>, transpose_lhs_hint = false} : vector<10000x128xf32>, vector<128x128xf32>, vector<10000x128xf32> -> vector<10000x128xf32>
    %get3A_58 = arith.constant 0 : index
    %get3A_59 = arith.constant 0 : index
    %get3A_60 = vector.load %arg7[%get3A_58, %get3A_59] : memref<1x128xf32, #tpu.memory_space<vmem>>, vector<1x128xf32>
    %add3A_61 = vector.broadcast %get3A_60 : vector<1x128xf32> to vector<10000x128xf32>
    %add3A_62 = arith.addf %dot_general3A_57, %add3A_61 : vector<10000x128xf32>
    %max3A_63 = arith.constant 0.000000e+00 : f32
    %max3A_64 = vector.broadcast %max3A_63 : f32 to vector<10000x128xf32>
    %max3A_65 = arith.maximumf %add3A_62, %max3A_64 : vector<10000x128xf32>
    %swap3A = arith.constant 0 : index
    %swap3A_66 = arith.constant 0 : index
    %swap3A_67 = vector.load %arg8[%swap3A, %swap3A_66] : memref<10000x128xf32, #tpu.memory_space<vmem>>, vector<10000x128xf32>
    tpu.vector_store %arg8[%swap3A, %swap3A_66], %max3A_65 {strides = array<i32>} : memref<10000x128xf32, #tpu.memory_space<vmem>>, vector<10000x128xf32>,
    return
  }
}

module attributes {stable_mosaic.version = 14 : i64} {
  func.func @_head_body(%arg0: memref<10000x128xf32, #tpu.memory_space<vmem>>, %arg1: memref<10000x1xi32, #tpu.memory_space<vmem>>, %arg2: memref<1x128xf32, #tpu.memory_space<vmem>>, %arg3: memref<1x1xf32, #tpu.memory_space<vmem>>, %arg4: memref<1x128xf32, #tpu.memory_space<vmem>>, %arg5: memref<1x128xf32, #tpu.memory_space<vmem>>, %arg6: memref<128x128xf32, #tpu.memory_space<vmem>>, %arg7: memref<1x128xf32, #tpu.memory_space<vmem>>, %arg8: memref<1x128xf32, #tpu.memory_space<vmem>>, %arg9: memref<1x128xf32, #tpu.memory_space<vmem>>, %arg10: memref<128x10xf32, #tpu.memory_space<vmem>>, %arg11: memref<1x10xf32, #tpu.memory_space<vmem>>, %arg12: memref<128x10xf32, #tpu.memory_space<vmem>>) attributes {dimension_semantics = [], scalar_prefetch = 0 : i64, scratch_operands = 0 : i64, tpu.core_type = #tpu.core_type<tc>} {
    %get3A = arith.constant 0 : index
    %get3A_0 = arith.constant 0 : index
    %get3A_1 = vector.load %arg0[%get3A, %get3A_0] : memref<10000x128xf32, #tpu.memory_space<vmem>>, vector<10000x128xf32>
    %get3A_2 = arith.constant 0 : index
    %get3A_3 = arith.constant 0 : index
    %get3A_4 = vector.load %arg2[%get3A_2, %get3A_3] : memref<1x128xf32, #tpu.memory_space<vmem>>, vector<1x128xf32>
    %mul3A = vector.broadcast %get3A_4 : vector<1x128xf32> to vector<10000x128xf32>
    %mul3A_5 = arith.mulf %get3A_1, %mul3A : vector<10000x128xf32>
    %reduce_sum3A = arith.constant dense<0.000000e+00> : vector<10000xf32>
    %reduce_sum3A_6 = vector.multi_reduction <add>, %mul3A_5, %reduce_sum3A [1] : vector<10000x128xf32> to vector<10000xf32>
    %broadcast_in_dim3A = vector.shape_cast %reduce_sum3A_6 : vector<10000xf32> to vector<10000x1xf32>
    %get3A_7 = arith.constant 0 : index
    %get3A_8 = arith.constant 0 : index
    %get3A_9 = vector.load %arg3[%get3A_7, %get3A_8] : memref<1x1xf32, #tpu.memory_space<vmem>>, vector<1x1xf32>
    %add3A = vector.broadcast %get3A_9 : vector<1x1xf32> to vector<10000x1xf32>
    %add3A_10 = arith.addf %broadcast_in_dim3A, %add3A : vector<10000x1xf32>
    %iota3A = tpu.iota {dimensions = array<i32: 1>} : vector<1x128xi32>
    %get3A_11 = arith.constant 0 : index
    %get3A_12 = arith.constant 0 : index
    %get3A_13 = vector.load %arg1[%get3A_11, %get3A_12] : memref<10000x1xi32, #tpu.memory_space<vmem>>, vector<10000x1xi32>
    %eq3A = vector.broadcast %get3A_13 : vector<10000x1xi32> to vector<10000x128xi32>
    %eq3A_14 = vector.broadcast %iota3A : vector<1x128xi32> to vector<10000x128xi32>
    %eq3A_15 = arith.cmpi eq, %eq3A, %eq3A_14 : vector<10000x128xi32>
    %convert_element_type3A = arith.extui %eq3A_15 : vector<10000x128xi1> to vector<10000x128xi32>
    %convert_element_type3A_16 = arith.sitofp %convert_element_type3A : vector<10000x128xi32> to vector<10000x128xf32>
    %gt3A = arith.constant 0.000000e+00 : f32
    %gt3A_17 = vector.broadcast %gt3A : f32 to vector<10000x128xf32>
    %gt3A_18 = arith.cmpf ogt, %convert_element_type3A_16, %gt3A_17 : vector<10000x128xf32>
    %jit3A = arith.constant -1.000000e+30 : f32
    %broadcast_in_dim3A_19 = vector.shape_cast %add3A_10 : vector<10000x1xf32> to vector<10000x1xf32>
    %broadcast_in_dim3A_20 = vector.broadcast %broadcast_in_dim3A_19 : vector<10000x1xf32> to vector<10000x128xf32>
    %broadcast_in_dim3A_21 = vector.broadcast %jit3A : f32 to vector<10000x128xf32>
    %select_n3A = arith.select %gt3A_18, %broadcast_in_dim3A_20, %broadcast_in_dim3A_21 : vector<10000x128xi1>, vector<10000x128xf32>
    %reduce_max3A = arith.constant dense<0xFF800000> : vector<128xf32>
    %reduce_max3A_22 = vector.multi_reduction <maximumf>, %select_n3A, %reduce_max3A [0] : vector<10000x128xf32> to vector<128xf32>
    %broadcast_in_dim3A_23 = vector.shape_cast %reduce_max3A_22 : vector<128xf32> to vector<1x128xf32>
    %mul3A_24 = vector.broadcast %broadcast_in_dim3A_23 : vector<1x128xf32> to vector<10000x128xf32>
    %mul3A_25 = arith.mulf %convert_element_type3A_16, %mul3A_24 : vector<10000x128xf32>
    %reduce_sum3A_26 = arith.constant dense<0.000000e+00> : vector<10000xf32>
    %reduce_sum3A_27 = vector.multi_reduction <add>, %mul3A_25, %reduce_sum3A_26 [1] : vector<10000x128xf32> to vector<10000xf32>
    %broadcast_in_dim3A_28 = vector.shape_cast %reduce_sum3A_27 : vector<10000xf32> to vector<10000x1xf32>
    %sub3A = arith.subf %add3A_10, %broadcast_in_dim3A_28 : vector<10000x1xf32>
    %exp3A = math.exp %sub3A : vector<10000x1xf32>
    %mul3A_29 = vector.broadcast %exp3A : vector<10000x1xf32> to vector<10000x128xf32>
    %mul3A_30 = arith.mulf %convert_element_type3A_16, %mul3A_29 : vector<10000x128xf32>
    %reduce_sum3A_31 = arith.constant dense<0.000000e+00> : vector<128xf32>
    %reduce_sum3A_32 = vector.multi_reduction <add>, %mul3A_30, %reduce_sum3A_31 [0] : vector<10000x128xf32> to vector<128xf32>
    %broadcast_in_dim3A_33 = vector.shape_cast %reduce_sum3A_32 : vector<128xf32> to vector<1x128xf32>
    %mul3A_34 = vector.broadcast %broadcast_in_dim3A_33 : vector<1x128xf32> to vector<10000x128xf32>
    %mul3A_35 = arith.mulf %convert_element_type3A_16, %mul3A_34 : vector<10000x128xf32>
    %reduce_sum3A_36 = arith.constant dense<0.000000e+00> : vector<10000xf32>
    %reduce_sum3A_37 = vector.multi_reduction <add>, %mul3A_35, %reduce_sum3A_36 [1] : vector<10000x128xf32> to vector<10000xf32>
    %broadcast_in_dim3A_38 = vector.shape_cast %reduce_sum3A_37 : vector<10000xf32> to vector<10000x1xf32>
    %add3A_39 = arith.constant 1.000000e-16 : f32
    %add3A_40 = vector.broadcast %add3A_39 : f32 to vector<10000x1xf32>
    %add3A_41 = arith.addf %broadcast_in_dim3A_38, %add3A_40 : vector<10000x1xf32>
    %div3A = arith.divf %exp3A, %add3A_41 : vector<10000x1xf32>
    %mul3A_42 = vector.broadcast %div3A : vector<10000x1xf32> to vector<10000x128xf32>
    %mul3A_43 = arith.mulf %convert_element_type3A_16, %mul3A_42 : vector<10000x128xf32>
    %dot_general3A = arith.constant dense<0.000000e+00> : vector<128x128xf32>
    %dot_general3A_44 = tpu.matmul %mul3A_43, %get3A_1, %dot_general3A {dimension_numbers = #tpu.dot_dimension_numbers<[0], [0], [1], [1], [0, 1, 1, 1], [], []>, transpose_lhs_hint = false} : vector<10000x128xf32>, vector<10000x128xf32>, vector<128x128xf32> -> vector<128x128xf32>
    %get3A_45 = arith.constant 0 : index
    %get3A_46 = arith.constant 0 : index
    %get3A_47 = vector.load %arg4[%get3A_45, %get3A_46] : memref<1x128xf32, #tpu.memory_space<vmem>>, vector<1x128xf32>
    %get3A_48 = arith.constant 0 : index
    %get3A_49 = arith.constant 0 : index
    %get3A_50 = vector.load %arg5[%get3A_48, %get3A_49] : memref<1x128xf32, #tpu.memory_space<vmem>>, vector<1x128xf32>
    %reduce_sum3A_51 = arith.constant dense<0.000000e+00> : vector<128xf32>
    %reduce_sum3A_52 = vector.multi_reduction <add>, %dot_general3A_44, %reduce_sum3A_51 [0] : vector<128x128xf32> to vector<128xf32>
    %broadcast_in_dim3A_53 = vector.shape_cast %reduce_sum3A_52 : vector<128xf32> to vector<1x128xf32>
    %div3A_54 = arith.constant 1.280000e+02 : f32
    %div3A_55 = vector.broadcast %div3A_54 : f32 to vector<1x128xf32>
    %div3A_56 = arith.divf %broadcast_in_dim3A_53, %div3A_55 : vector<1x128xf32>
    %sub3A_57 = vector.broadcast %div3A_56 : vector<1x128xf32> to vector<128x128xf32>
    %sub3A_58 = arith.subf %dot_general3A_44, %sub3A_57 : vector<128x128xf32>
    %sub3A_59 = vector.broadcast %div3A_56 : vector<1x128xf32> to vector<128x128xf32>
    %sub3A_60 = arith.subf %dot_general3A_44, %sub3A_59 : vector<128x128xf32>
    %mul3A_61 = arith.mulf %sub3A_58, %sub3A_60 : vector<128x128xf32>
    %reduce_sum3A_62 = arith.constant dense<0.000000e+00> : vector<128xf32>
    %reduce_sum3A_63 = vector.multi_reduction <add>, %mul3A_61, %reduce_sum3A_62 [0] : vector<128x128xf32> to vector<128xf32>
    %broadcast_in_dim3A_64 = vector.shape_cast %reduce_sum3A_63 : vector<128xf32> to vector<1x128xf32>
    %div3A_65 = arith.constant 1.280000e+02 : f32
    %div3A_66 = vector.broadcast %div3A_65 : f32 to vector<1x128xf32>
    %div3A_67 = arith.divf %broadcast_in_dim3A_64, %div3A_66 : vector<1x128xf32>
    %sub3A_68 = vector.broadcast %div3A_56 : vector<1x128xf32> to vector<128x128xf32>
    %sub3A_69 = arith.subf %dot_general3A_44, %sub3A_68 : vector<128x128xf32>
    %mul3A_70 = vector.broadcast %get3A_47 : vector<1x128xf32> to vector<128x128xf32>
    %mul3A_71 = arith.mulf %mul3A_70, %sub3A_69 : vector<128x128xf32>
    %add3A_72 = arith.constant 9.99999974E-6 : f32
    %add3A_73 = vector.broadcast %add3A_72 : f32 to vector<1x128xf32>
    %add3A_74 = arith.addf %div3A_67, %add3A_73 : vector<1x128xf32>
    %sqrt3A = math.sqrt %add3A_74 : vector<1x128xf32>
    %div3A_75 = vector.broadcast %sqrt3A : vector<1x128xf32> to vector<128x128xf32>
    %div3A_76 = arith.divf %mul3A_71, %div3A_75 : vector<128x128xf32>
    %add3A_77 = vector.broadcast %get3A_50 : vector<1x128xf32> to vector<128x128xf32>
    %add3A_78 = arith.addf %div3A_76, %add3A_77 : vector<128x128xf32>
    %get3A_79 = arith.constant 0 : index
    %get3A_80 = arith.constant 0 : index
    %get3A_81 = vector.load %arg6[%get3A_79, %get3A_80] : memref<128x128xf32, #tpu.memory_space<vmem>>, vector<128x128xf32>
    %dot_general3A_82 = arith.constant dense<0.000000e+00> : vector<128x128xf32>
    %dot_general3A_83 = tpu.matmul %add3A_78, %get3A_81, %dot_general3A_82 {dimension_numbers = #tpu.dot_dimension_numbers<[1], [0], [0], [1], [0, 0, 1, 1], [], []>, transpose_lhs_hint = false} : vector<128x128xf32>, vector<128x128xf32>, vector<128x128xf32> -> vector<128x128xf32>
    %get3A_84 = arith.constant 0 : index
    %get3A_85 = arith.constant 0 : index
    %get3A_86 = vector.load %arg7[%get3A_84, %get3A_85] : memref<1x128xf32, #tpu.memory_space<vmem>>, vector<1x128xf32>
    %add3A_87 = vector.broadcast %get3A_86 : vector<1x128xf32> to vector<128x128xf32>
    %add3A_88 = arith.addf %dot_general3A_83, %add3A_87 : vector<128x128xf32>
    %max3A = arith.constant 0.000000e+00 : f32
    %max3A_89 = vector.broadcast %max3A : f32 to vector<128x128xf32>
    %max3A_90 = arith.maximumf %add3A_88, %max3A_89 : vector<128x128xf32>
    %get3A_91 = arith.constant 0 : index
    %get3A_92 = arith.constant 0 : index
    %get3A_93 = vector.load %arg8[%get3A_91, %get3A_92] : memref<1x128xf32, #tpu.memory_space<vmem>>, vector<1x128xf32>
    %get3A_94 = arith.constant 0 : index
    %get3A_95 = arith.constant 0 : index
    %get3A_96 = vector.load %arg9[%get3A_94, %get3A_95] : memref<1x128xf32, #tpu.memory_space<vmem>>, vector<1x128xf32>
    %reduce_sum3A_97 = arith.constant dense<0.000000e+00> : vector<128xf32>
    %reduce_sum3A_98 = vector.multi_reduction <add>, %max3A_90, %reduce_sum3A_97 [0] : vector<128x128xf32> to vector<128xf32>
    %broadcast_in_dim3A_99 = vector.shape_cast %reduce_sum3A_98 : vector<128xf32> to vector<1x128xf32>
    %div3A_100 = arith.constant 1.280000e+02 : f32
    %div3A_101 = vector.broadcast %div3A_100 : f32 to vector<1x128xf32>
    %div3A_102 = arith.divf %broadcast_in_dim3A_99, %div3A_101 : vector<1x128xf32>
    %sub3A_103 = vector.broadcast %div3A_102 : vector<1x128xf32> to vector<128x128xf32>
    %sub3A_104 = arith.subf %max3A_90, %sub3A_103 : vector<128x128xf32>
    %sub3A_105 = vector.broadcast %div3A_102 : vector<1x128xf32> to vector<128x128xf32>
    %sub3A_106 = arith.subf %max3A_90, %sub3A_105 : vector<128x128xf32>
    %mul3A_107 = arith.mulf %sub3A_104, %sub3A_106 : vector<128x128xf32>
    %reduce_sum3A_108 = arith.constant dense<0.000000e+00> : vector<128xf32>
    %reduce_sum3A_109 = vector.multi_reduction <add>, %mul3A_107, %reduce_sum3A_108 [0] : vector<128x128xf32> to vector<128xf32>
    %broadcast_in_dim3A_110 = vector.shape_cast %reduce_sum3A_109 : vector<128xf32> to vector<1x128xf32>
    %div3A_111 = arith.constant 1.280000e+02 : f32
    %div3A_112 = vector.broadcast %div3A_111 : f32 to vector<1x128xf32>
    %div3A_113 = arith.divf %broadcast_in_dim3A_110, %div3A_112 : vector<1x128xf32>
    %sub3A_114 = vector.broadcast %div3A_102 : vector<1x128xf32> to vector<128x128xf32>
    %sub3A_115 = arith.subf %max3A_90, %sub3A_114 : vector<128x128xf32>
    %mul3A_116 = vector.broadcast %get3A_93 : vector<1x128xf32> to vector<128x128xf32>
    %mul3A_117 = arith.mulf %mul3A_116, %sub3A_115 : vector<128x128xf32>
    %add3A_118 = arith.constant 9.99999974E-6 : f32
    %add3A_119 = vector.broadcast %add3A_118 : f32 to vector<1x128xf32>
    %add3A_120 = arith.addf %div3A_113, %add3A_119 : vector<1x128xf32>
    %sqrt3A_121 = math.sqrt %add3A_120 : vector<1x128xf32>
    %div3A_122 = vector.broadcast %sqrt3A_121 : vector<1x128xf32> to vector<128x128xf32>
    %div3A_123 = arith.divf %mul3A_117, %div3A_122 : vector<128x128xf32>
    %add3A_124 = vector.broadcast %get3A_96 : vector<1x128xf32> to vector<128x128xf32>
    %add3A_125 = arith.addf %div3A_123, %add3A_124 : vector<128x128xf32>
    %get3A_126 = arith.constant 0 : index
    %get3A_127 = arith.constant 0 : index
    %get3A_128 = vector.load %arg10[%get3A_126, %get3A_127] : memref<128x10xf32, #tpu.memory_space<vmem>>, vector<128x10xf32>
    %dot_general3A_129 = arith.constant dense<0.000000e+00> : vector<128x10xf32>
    %dot_general3A_130 = tpu.matmul %add3A_125, %get3A_128, %dot_general3A_129 {dimension_numbers = #tpu.dot_dimension_numbers<[1], [0], [0], [1], [0, 0, 1, 1], [], []>, transpose_lhs_hint = false} : vector<128x128xf32>, vector<128x10xf32>, vector<128x10xf32> -> vector<128x10xf32>
    %get3A_131 = arith.constant 0 : index
    %get3A_132 = arith.constant 0 : index
    %get3A_133 = vector.load %arg11[%get3A_131, %get3A_132] : memref<1x10xf32, #tpu.memory_space<vmem>>, vector<1x10xf32>
    %add3A_134 = vector.broadcast %get3A_133 : vector<1x10xf32> to vector<128x10xf32>
    %add3A_135 = arith.addf %dot_general3A_130, %add3A_134 : vector<128x10xf32>
    %reduce_max3A_136 = arith.constant dense<0xFF800000> : vector<128xf32>
    %reduce_max3A_137 = vector.multi_reduction <maximumf>, %add3A_135, %reduce_max3A_136 [1] : vector<128x10xf32> to vector<128xf32>
    %broadcast_in_dim3A_138 = vector.shape_cast %reduce_max3A_137 : vector<128xf32> to vector<128x1xf32>
    %sub3A_139 = vector.broadcast %broadcast_in_dim3A_138 : vector<128x1xf32> to vector<128x10xf32>
    %sub3A_140 = arith.subf %add3A_135, %sub3A_139 : vector<128x10xf32>
    %exp3A_141 = math.exp %sub3A_140 : vector<128x10xf32>
    %reduce_sum3A_142 = arith.constant dense<0.000000e+00> : vector<128xf32>
    %reduce_sum3A_143 = vector.multi_reduction <add>, %exp3A_141, %reduce_sum3A_142 [1] : vector<128x10xf32> to vector<128xf32>
    %broadcast_in_dim3A_144 = vector.shape_cast %reduce_sum3A_143 : vector<128xf32> to vector<128x1xf32>
    %log3A = math.log %broadcast_in_dim3A_144 : vector<128x1xf32>
    %add3A_145 = arith.addf %broadcast_in_dim3A_138, %log3A : vector<128x1xf32>
    %sub3A_146 = vector.broadcast %add3A_145 : vector<128x1xf32> to vector<128x10xf32>
    %sub3A_147 = arith.subf %add3A_135, %sub3A_146 : vector<128x10xf32>
    %swap3A = arith.constant 0 : index
    %swap3A_148 = arith.constant 0 : index
    %swap3A_149 = vector.load %arg12[%swap3A, %swap3A_148] : memref<128x10xf32, #tpu.memory_space<vmem>>, vector<128x10xf32>
    tpu.vector_store %arg12[%swap3A, %swap3A_148], %sub3A_147 {strides = array<i32>} : memref<128x10xf32, #tpu.memory_space<vmem>>, vector<128x10xf32>,
    return
  }
}

</mosaic_0001>

<sc_bundles>
// kernel: kernel.10.cloned.1.call-start
scs
__scs_entry_jumppad:
0x0: {  	(pc) =	sbr.rel $0x88, $3  }
0x1: {  	(tag) =	ssettag $0x0;
	lr =	simm.s32 $0x1  }
0x2: {  	[smem:$0x3F7F] =	sst lr;
	_ =	strace $0xD0000000  }
0x3: {  	_ = 	snop  }
0x4: {  	_ = 	snop  }
0x5: {  	_ = 	snop  }
0x6: {  	_ = 	snop  }
0x7: {  	_ = 	snop  }
__scs_overlays_trampoline_lowered:
0x8: {  	[smem:$0x3F8E] =	sst s0  }
0x9: {  	[smem:$0x3F8F] =	sst s1  }
0xa: {  	[smem:$0x3F90] =	sst s2  }
0xb: {  	[smem:$0x3F91] =	sst s3  }
0xc: {  	[smem:$0x3F92] =	sst s4  }
0xd: {  	[smem:$0x3F93] =	sst s5  }
0xe: {  	[smem:$0x3F94] =	sst s6  }
0xf: {  	[smem:$0x3F95] =	sst s7  }
0x10: {  	[smem:$0x3F96] =	sst s8  }
0x11: {  	[smem:$0x3F97] =	sst s9;
	s0 =	simm.s32 @!p0 $0x0  }
0x12: {  	s1 =	sld [smem:$0x3F7D];
	s0 =	simm.s32 @p0 $0x1  }
0x13: {  	[smem:$0x3F98] =	sst s0;
	s0 =	simm.s32 @!p1 $0x0  }
0x14: {  	s2 =	sld [smem:$0x3F7C];
	s0 =	simm.s32 @p1 $0x1  }
0x15: {  	[smem:$0x3F99] =	sst s0;
	s0 =	simm.s32 @!p2 $0x0  }
0x16: {  	s3 =	sld [smem:$0x3FDB];
	s0 =	simm.s32 @p2 $0x1  }
0x17: {  	s4 =	simm.s32 $0x1BF5;
	[smem:$0x3F9B] =	sst s0  }
0x18: {  	s0 =	sld [smem:$0x3F7E];
	_ =	swait.ge [sflag:s4], $0x0  }
0x19: {  	s7 =	sld [smem:$0x3F7F]  }
0x1a: {  	s8 =	sadd.s32 $0xFFFFE003, lr  }
0x1b: {  	s9 =	sadd.s32 $0xFFFFFEF7, lr;
	s5 =	simm.s32 $0xFFFFFFFF;
	p2 =	slt.u32 s8, $0xFFFFF086  }
0x1c: {  	p1 =	slt.u32 s9, $0xF7A;
	s5 =	simm.s32 @!p2 $0x0  }
0x1d: {  	s5 =	simm.s32 @p1 $0x1;
	p0 =	seq.s32 s7, s2  }
0x1e: {  	s7 =	smul.u32 @!p0 $0xF7A, s2;
	p2 =	seq.s32 @!p0 s5, $0x0  }
0x1f: {  	s9 =	smul.u32 $0xF7A, s1;
	s8 =	simm.s32 @!p0 $0x1BF5;
	p2 =	por !p2, p0  }
0x20: {  	[sflag:s8] =	ssyncset.s32 @!p0 $0xFFFFF086;
	s6 =	sadd.s32 @!p0 s3, s7;
	s7 =	simm.s32 @!p0 $0x108  }
0x21: {  	s3 =	sadd.s32 s3, s9;
	s6 =	sadd.s32 @!p0 $0x88, s6;
	s7 =	simm.s32 @p2 $0x1082  }
0x22: {  	[simem:s7], [sflag:s8] =	dma.local @!p0 [hbm:s6], $0xF7A  }
0x23: {  	s9 =	sor.u32 $0xD0000000, s2;
	s6 =	simm.s32 $0x108;
	_ =	swait.ge @!p0 [sflag:s8], $0x0  }
0x24: {  	s3 =	sadd.s32 $0x88, s3;
	s6 =	simm.s32 @!p1 $0x1082;
	[sflag:s4] =	ssyncset.s32 $0xFFFFF086  }
0x25: {  	[simem:s6], [sflag:s4] =	dma.local [hbm:s3], $0xF7A  }
0x26: {  	[smem:$0x3F7F] =	sst s1;
	(tag) =	ssettag s2;
	_ =	strace s9  }
0x27: {  	s1 =	sld [smem:$0x3F8F]  }
0x28: {  	s2 =	sld [smem:$0x3F90]  }
0x29: {  	s4 =	sld [smem:$0x3F92]  }
0x2a: {  	p0 =	seq.s32 s5, $0x0;
	s5 =	sld [smem:$0x3F93]  }
0x2b: {  	s6 =	sld [smem:$0x3F94]  }
0x2c: {  	s7 =	sld [smem:$0x3F95]  }
0x2d: {  	s3 =	simm.s32 $0x108;
	s8 =	sld [smem:$0x3F96]  }
0x2e: {  	s3 =	simm.s32 @!p0 $0x1082;
	s9 =	sld [smem:$0x3F97]  }
0x2f: {  	lr =	sadd.s32 s0, s3;
	s0 =	sld [smem:$0x3F8E]  }
0x30: {  	s3 =	sld [smem:$0x3F91]  }
0x31: {  	[smem:$0x3F9A] =	sst s10  }
0x32: {  	s10 =	sld [smem:$0x3F98];
	_ =	sdelay $0x3  }
0x33: {  	p0 =	seq.s32 s10, $0x1;
	s10 =	sld [smem:$0x3F9A];
	_ =	sdelay $0x3  }
0x34: {  	[smem:$0x3F9A] =	sst s10  }
0x35: {  	s10 =	sld [smem:$0x3F99];
	_ =	sdelay $0x3  }
0x36: {  	p1 =	seq.s32 s10, $0x1;
	s10 =	sld [smem:$0x3F9A];
	_ =	sdelay $0x3  }
0x37: {  	[smem:$0x3F9A] =	sst s10  }
0x38: {  	s10 =	sld [smem:$0x3F9B]  }
0x39: {  	_ = 	snop;
	(pc) =	sbr.ind lr, $3  }
0x3a: {  	_ = 	snop  }
0x3b: {  	_ = 	snop  }
0x3c: {  	p2 =	seq.s32 s10, $0x1;
	s10 =	sld [smem:$0x3F9A]  }
0x3d: {  	_ =	shalt  }
0x3e: {  	_ =	shalt  }
0x3f: {  	_ =	shalt  }
0x40: {  	_ =	shalt  }
0x41: {  	_ =	shalt  }
0x42: {  	_ =	shalt  }
0x43: {  	_ =	shalt  }
0x44: {  	_ =	shalt  }
0x45: {  	_ =	shalt  }
0x46: {  	_ =	shalt  }
0x47: {  	_ =	shalt  }
0x48: {  	_ =	shalt  }
0x49: {  	_ =	shalt  }
0x4a: {  	_ =	shalt  }
0x4b: {  	_ =	shalt  }
0x4c: {  	_ =	shalt  }
0x4d: {  	_ =	shalt  }
0x4e: {  	_ =	shalt  }
0x4f: {  	_ =	shalt  }
0x50: {  	_ =	shalt  }
0x51: {  	_ =	shalt  }
0x52: {  	_ =	shalt  }
0x53: {  	_ =	shalt  }
0x54: {  	_ =	shalt  }
0x55: {  	_ =	shalt  }
0x56: {  	_ =	shalt  }
0x57: {  	_ =	shalt  }
0x58: {  	_ =	shalt  }
0x59: {  	_ =	shalt  }
0x5a: {  	_ =	shalt  }
0x5b: {  	_ =	shalt  }
0x5c: {  	_ =	shalt  }
0x5d: {  	_ =	shalt  }
0x5e: {  	_ =	shalt  }
0x5f: {  	_ =	shalt  }
0x60: {  	_ =	shalt  }
0x61: {  	_ =	shalt  }
0x62: {  	_ =	shalt  }
0x63: {  	_ =	shalt  }
0x64: {  	_ =	shalt  }
0x65: {  	_ =	shalt  }
0x66: {  	_ =	shalt  }
0x67: {  	_ =	shalt  }
0x68: {  	_ =	shalt  }
0x69: {  	_ =	shalt  }
0x6a: {  	_ =	shalt  }
0x6b: {  	_ =	shalt  }
0x6c: {  	_ =	shalt  }
0x6d: {  	_ =	shalt  }
0x6e: {  	_ =	shalt  }
0x6f: {  	_ =	shalt  }
0x70: {  	_ =	shalt  }
0x71: {  	_ =	shalt  }
0x72: {  	_ =	shalt  }
0x73: {  	_ =	shalt  }
0x74: {  	_ =	shalt  }
0x75: {  	_ =	shalt  }
0x76: {  	_ =	shalt  }
0x77: {  	_ =	shalt  }
0x78: {  	_ =	shalt  }
0x79: {  	_ =	shalt  }
0x7a: {  	_ =	shalt  }
0x7b: {  	_ =	shalt  }
0x7c: {  	_ =	shalt  }
0x7d: {  	_ =	shalt  }
0x7e: {  	_ =	shalt  }
0x7f: {  	_ =	shalt  }
0x80: {  	_ =	shalt  }
0x81: {  	_ =	shalt  }
0x82: {  	_ =	shalt  }
0x83: {  	_ =	shalt  }
0x84: {  	_ =	shalt  }
0x85: {  	_ =	shalt  }
0x86: {  	_ =	shalt  }
0x87: {  	_ =	shalt  }
.Lfunc_end0:
.L_simem_size_0:
called_computation_lowered:
.L_overlay_start_0:
0x88: {  	s2 =	sld [smem:$0x3FD9]  }
0x89: {  	s3 =	sld [smem:$0x3FFE];
	_ =	sdelay $0x1  }
0x8a: {  	s1 =	srdreg.scid  }
0x8b: {  	s0 =	sand.u32 $0x1, s1  }
0x8c: {  	s16 =	sshll.u32 s0, $0xA;
	s2 =	sadd.s32 s3, s2  }
0x8d: {  	s2 =	sadd.s32 s2, s16  }
0x8e: {  	[smem:$0x3FA6] =	sst s2  }
0x8f: {  	_ = 	snop  }
0x90: {  	(tm) =	ssettm $0x1  }
0x91: {  	s17 =	sld [smem:$0x3FFB];
	_ =	sdelay $0x3  }
0x92: {  	_ =	strace s17  }
0x93: {  	s2 =	sld [smem:$0x3FFC];
	_ =	sdelay $0x3  }
0x94: {  	_ =	strace s2  }
0x95: {  	s2 =	sld [smem:$0x3FFD];
	_ =	sdelay $0x3  }
0x96: {  	_ =	strace s2  }
0x97: {  	_ =	strace $0x8FFFFFFF  }
0x98: {  	s18 =	sld [smem:$0x3FDB];
	_ =	sdelay $0x1  }
0x99: {  	s19 =	simm.s32 $_scs_section_size  }
0x9a: {  	s4 =	simm.s32 $_size__tile_overlayer_lowered;
	s5 =	simm.s32 $_tile_overlayer_lowered  }
0x9b: {  	s22 =	simm.s32 $0x1BFF;
	s21 =	sshll.u32 s5, $0x1;
	s2 =	sadd.s32 s19, s18  }
0x9c: {  	s6 =	simm.s32 $0x0;
	s20 =	sshll.u32 s4, $0x1;
	s4 =	sadd.s32 s21, s2  }
0x9d: {  	[timem:s6], [sflag:s22] =	dma.local [hbm:s4], s20  }
0x9e: {  	_ =	swait.ge [sflag:s22], s20  }
0x9f: {  	s3 =	ssub.s32 $0x0, s20;
	[sflag:s22] =	ssyncset.done $0x0  }
0xa0: {  	[sflag:s22] =	ssyncadd.s32 s3;
	_ =	sdelay $0x1  }
0xa1: {  	s23 =	simm.s32 $0x1B8B  }
0xa2: {  	_ =	swait.ge [sflag:s23], $0x1  }
0xa3: {  	[sflag:s23] =	ssyncset.done $0x0  }
0xa4: {  	s25 =	simm.s32 $0x1B8E;
	s24 =	sld [smem:$0x3FFE];
	[sflag:s23] =	ssyncadd.s32 $0xFFFFFFFF  }
0xa5: {  	s26 =	simm.s32 $execute0_lowered;
	[smem:$0x3FD2] =	sst s25  }
0xa6: {  	s4 =	sshll.u32 s26, $0x1;
	_ =	strace $0x80000046;
	[dreg:$0x1] =	wrdreg $0xFFFFFFFF  }
0xa7: {  	s28 =	simm.s32 $_size_execute0_lowered;
	s2 =	sadd.s32 s2, s4;
	[dreg:$0x0] =	wrdreg $0x0  }
0xa8: {  	s4 =	sshll.u32 s28, $0x1;
	[dreg:$0x2] =	wrdreg s2  }
0xa9: {  	[dreg:$0x3] =	wrdreg s4  }
0xaa: {  	[dreg:$0x4] =	wrdreg $0xC0  }
0xab: {  	_ =	task [dreg:s6], $0x5FFFF  }
0xac: {  	[dreg:$0x1] =	wrdreg $0xFFFFFFFF  }
0xad: {  	[dreg:$0x0] =	wrdreg $0x60  }
0xae: {  	[dreg:$0x2] =	wrdreg s24  }
0xaf: {  	[dreg:$0x3] =	wrdreg $0x90000  }
0xb0: {  	[dreg:$0x4] =	wrdreg $0x9  }
0xb1: {  	_ =	task.clear_ibuf [dreg:s6], $0x5FFFF;
	_ =	strace $0x90000046  }
0xb2: {  	s29 =	simm.s32 $0x9;
	_ =	strace $0x80000048  }
0xb3: {  	_ =	swait.ge [sflag:s29], $0x1  }
0xb4: {  	[sflag:s29] =	ssyncadd.s32 $0xFFFFFFFF  }
0xb5: {  	_ =	strace $0x90000048  }
0xb6: {  	_ =	sfence  }
0xb7: {  	s30 =	sld [smem:$0x0];
	_ =	sdelay $0x2  }
0xb8: {  	s31 =	sshll.u32 s1, $0xD;
	s1 =	sshrl.u32 s1, $0x2  }
0xb9: {  	s3 =	sand.u32 $0x4000, s31;
	s1 =	sadd.s32 s1, s30  }
0xba: {  	s0 =	sor.u32 s3, s0;
	s1 =	sshll.u32 s1, $0x11  }
0xbb: {  	s0 =	sor.u32 s1, s0  }
0xbc: {  	s0 =	sadd.s32 $0x8F2B, s0  }
0xbd: {  	[sflag:s0] =	ssyncadd.remote.s32 $0x1  }
0xbe: {  	_ =	sfence.sel $0xFFFF  }
0xbf: {  	[dreg:$0x0] =	wrdreg $0xFFFFFFFF;
	(pc) =	sbr.abs _section_cstart, $3  }
0xc0: {  	[dreg:$0x1] =	wrdreg $0xFFFFFFFF  }
0xc1: {  	_ =	task.clear_ibuf [dreg:s6], $0x2FFFF;
	_ =	strace $0x9FFFFFFF  }
0xc2: {  	(tm) =	ssettm $0x7FFFFFFF  }
0xc3: {  	_ =	shalt  }
tec
execute0_lowered:
.L_overlay_start_1:
0x0: {  	(tag) =	ssettag $0x1  }
0x1: {  	s1 =	srdreg.scid  }
0x2: {  	s0 =	stileid.u32;
	s6 =	rddreg [dreg:$0x0]  }
0x3: {  	s2 =	rddreg [dreg:$0x1];
	s3 =	simm.s32 $0x0;
	s14 =	simm.s32 $0x7D  }
0x4: {  	s15 =	simm.s32 $0x5000;
	s16 =	simm.s32 $0x1;
	s17 =	simm.s32 $0x0  }
0x5: {  	s5 =	sand.u32 $0x1, s1;
	s29 =	sshll.u32 s0, $0x1;
	s9 =	smul.u32 $0x14000, s0  }
0x6: {  	[smem:$0x7FF] =	sst s3;
	s4 =	sadd.s32 $0x19C00, s6;
	s11 =	smul.u32 $0x50000, s0  }
0x7: {  	s12 =	sshll.u32 s0, $0x6;
	s1 =	sor.u32 s5, s29;
	s8 =	smul.u32 $0x140000, s5  }
0x8: {  	s30 =	ssub.s32 $0x2, s5;
	s5 =	sadd.s32 $0x40E00, s6;
	s12 =	sor.u32 $0x1C02, s12  }
0x9: {  	s7 =	smul.u32 $0x500, s1;
	s1 =	rddreg [dreg:$0x2];
	_ =	strace $0x80000047  }
0xa: {  	s10 =	sshrl.u32 s30, $0x1;
	s31 =	sshrl.u32 s11, $0x2;
	s11 =	simm.s32 $0x2800  }
0xb: {  	s8 =	sadd.s32 s9, s8;
	s9 =	ssub.s32 s30, s10;
	s13 =	sadd.s32 s31, s2  }
0xc: {  	s10 =	simm.s32 $0x2;
	s7 =	sadd.s32 s7, s6;
	s8 =	sshrl.u32 s8, $0x3  }
0xd: {  	s9 =	smax.u32 s9, $0x1;
	s13 =	sshrl.u32 s13, $0x3;
	s8 =	sadd.s32 s8, s6  }
0xe: {  	s6 =	sadd.s32 $0x5C00, s7;
	s7 =	sadd.s32 $0xFC00, s7;
	s8 =	sadd.s32 $0x43600, s8  }
.LBB2_1:
0xf: {  	[tilespmem:s3], [sflag:$0x2] =	stream.linear.gather [hbm4b:s6+s3], $0x2800, $0x38;
	[tilespmem:$0x1D000] =	vst v63  }
0x10: {  	_ =	swait.ge [sflag:s10], $0x2800  }
0x11: {  	[sflag:s10] =	ssyncset.done $0x0  }
0x12: {  	[sflag:s10] =	ssyncadd.s32 $0xFFFFD800  }
0x13: {  	[tilespmem:s11], [sflag:$0x2] =	stream.linear.gather [hbm4b:s7+s3], $0x2800, $0x38;
	[tilespmem:$0x1D000] =	vst v63  }
0x14: {  	_ =	swait.ge [sflag:s10], $0x2800  }
0x15: {  	[sflag:s10] =	ssyncset.done $0x0  }
0x16: {  	[sflag:s10] =	ssyncadd.s32 $0xFFFFD800  }
0x17: {  	[spmem:s13], [sflag:s12] =	dma.local [hbm:s5], $0x2800  }
0x18: {  	_ =	swait.ge [sflag:s10], $0x2800  }
0x19: {  	[sflag:s10] =	ssyncset.done $0x0  }
0x1a: {  	[sflag:s10] =	ssyncadd.s32 $0xFFFFD800  }
0x1b: {  	s18 =	simm.s32 $0x0;
	[bflag:$0x0] =	sbarrier.arrive $0xFFFF  }
0x1c: {  	[tilespmem:s15], [sflag:$0x1] =	stream.indirect.gather [hbm4b:s4+s14], $0x80, s18, s14, $0xb8;
	[tilespmem:$0x1D000] =	vst v63  }
0x1d: {  	_ =	swait.ge [sflag:s16], $0x3E80  }
0x1e: {  	[sflag:s16] =	ssyncset.done $0x0  }
0x1f: {  	s31 =	simm.s32 $0x2800;
	[sflag:s16] =	ssyncadd.s32 $0xFFFFC180  }
0x20: {  	[spmem:s2] =	stream.indirect.scatter.add.f32 [tilespmem:s15], [sflag:$0x2], $0x80, s31, s14, $0xb8;
	[tilespmem:$0x1D000] =	vst v63  }
0x21: {  	_ =	swait.ge [sflag:s10], $0x3E80  }
0x22: {  	s19 =	simm.s32 $0x400;
	s18 =	simm.s32 $0x200;
	[sflag:s10] =	ssyncset.done $0x0  }
.LBB2_2:
0x23: {  	s20 =	sshra.s32 s18, $0x2  }
0x24: {  	[sflag:s10] =	ssyncadd.s32 $0xFFFFC180;
	s18 =	smov.u32 s19;
	s21 =	sadd.s32 $0x200, s19  }
0x25: {  	[tilespmem:s15], [sflag:$0x1] =	stream.indirect.gather [hbm4b:s4+s14], $0x80, s20, s14, $0xb8;
	[tilespmem:$0x1D000] =	vst v63  }
0x26: {  	p0 =	sne.s32 s19, $0x9E00;
	_ =	swait.ge [sflag:s16], $0x3E80  }
.Ltmp0:
0x27: {  	[sflag:s16] =	ssyncset.done $0x0;
	(pc) =	sbr.rel @p0 .LBB2_2-.Ltmp0, $4  }
0x28: {  	s19 =	sadd.s32 $0x2800, s20;
	[sflag:s16] =	ssyncadd.s32 $0xFFFFC180  }
0x29: {  	[spmem:s2] =	stream.indirect.scatter.add.f32 [tilespmem:s15], [sflag:$0x2], $0x80, s19, s14, $0xb8;
	[tilespmem:$0x1D000] =	vst v63  }
0x2a: {  	_ =	swait.ge [sflag:s10], $0x3E80  }
0x2b: {  	s19 =	smov.u32 s21;
	[sflag:s10] =	ssyncset.done $0x0  }
0x2c: {  	s18 =	sshra.s32 s18, $0x2;
	[sflag:s10] =	ssyncadd.s32 $0xFFFFC180  }
0x2d: {  	[tilespmem:s15], [sflag:$0x1] =	stream.indirect.gather [hbm4b:s4+s14], $0x80, s18, s14, $0xb8;
	[tilespmem:$0x1D000] =	vst v63  }
0x2e: {  	_ =	swait.ge [sflag:s16], $0x3E80  }
0x2f: {  	[sflag:s16] =	ssyncset.done $0x0  }
0x30: {  	s18 =	sadd.s32 $0x2800, s18;
	[sflag:s16] =	ssyncadd.s32 $0xFFFFC180  }
0x31: {  	[spmem:s2] =	stream.indirect.scatter.add.f32 [tilespmem:s15], [sflag:$0x2], $0x80, s18, s14, $0xb8;
	[tilespmem:$0x1D000] =	vst v63  }
0x32: {  	_ =	swait.ge [sflag:s10], $0x3E80  }
0x33: {  	s17 =	sadd.s32 $0x1, s17;
	[sflag:s10] =	ssyncset.done $0x0  }
0x34: {  	p0 =	sne.s32 s17, s9;
	[sflag:s10] =	ssyncadd.s32 $0xFFFFC180  }
.Ltmp1:
0x35: {  	[bflag:$0x0] =	sbarrier.arrive $0xFFFF;
	(pc) =	sbr.rel @p0 .LBB2_1-.Ltmp1, $4  }
0x36: {  	[hbm:s8], [sflag:s12] =	dma.local [spmem:s13], $0x2800  }
0x37: {  	_ =	swait.ge [sflag:s10], $0x2800  }
0x38: {  	[sflag:s10] =	ssyncset.done $0x0  }
0x39: {  	[sflag:s10] =	ssyncadd.s32 $0xFFFFD800  }
0x3a: {  	_ =	sfence.sel $0x180000  }
0x3b: {  	[bflag:$0x0] =	sbarrier.arrive $0xFFFF  }
0x3c: {  	p0 =	sne.s32 s0, $0x0;
	_ =	strace $0x90000047  }
0x3d: {  	s0 =	sadd.s32 @!p0 $0x100000, s1;
	[bflag:$0x2] =	sbarrier.arrive $0xFFFF  }
0x3e: {  	[sflag:s0] =	ssyncadd.tile.s32 @!p0 $0x1;
	_ =	shalt  }
.Lfunc_end2:
_tile_overlayer_lowered:
.L_overlay_start_2:
0x3f: {  	(tag) =	ssettag $0x2  }
0x40: {  	s0 =	rddreg [dreg:$0x0];
	s2 =	stileid.u32  }
0x41: {  	s1 =	rddreg [dreg:$0x1];
	p0 =	sne.s32 s2, $0x0  }
0x42: {  	s3 =	rddreg [dreg:$0x2];
	[bflag:$0x3] =	sbarrier.arrive $0xFFFF;
	s2 =	simm.s32 @!p0 $0x1C02  }
0x43: {  	[timem:s3], [sflag:s2] =	dma.local @!p0 [hbm:s0], s1  }
0x44: {  	s0 =	simm.s32 @!p0 $0x2  }
0x45: {  	_ =	swait.ge @!p0 [sflag:s0], s1  }
0x46: {  	s1 =	ssub.s32 @!p0 $0x0, s1;
	[sflag:s0] =	ssyncset.done @!p0 $0x0  }
0x47: {  	[sflag:s0] =	ssyncadd.s32 @!p0 s1  }
0x48: {  	[bflag:$0x3] =	sbarrier.arrive $0xFFFF  }
0x49: {  	_ =	shalt  }

// kernel: kernel.13.cloned.1.call-start
scs
__scs_entry_jumppad:
0x0: {  	(pc) =	sbr.rel $0x88, $3  }
0x1: {  	(tag) =	ssettag $0x0;
	lr =	simm.s32 $0x1  }
0x2: {  	[smem:$0x3F7F] =	sst lr;
	_ =	strace $0xD0000000  }
0x3: {  	_ = 	snop  }
0x4: {  	_ = 	snop  }
0x5: {  	_ = 	snop  }
0x6: {  	_ = 	snop  }
0x7: {  	_ = 	snop  }
__scs_overlays_trampoline_lowered:
0x8: {  	[smem:$0x3F8E] =	sst s0  }
0x9: {  	[smem:$0x3F8F] =	sst s1  }
0xa: {  	[smem:$0x3F90] =	sst s2  }
0xb: {  	[smem:$0x3F91] =	sst s3  }
0xc: {  	[smem:$0x3F92] =	sst s4  }
0xd: {  	[smem:$0x3F93] =	sst s5  }
0xe: {  	[smem:$0x3F94] =	sst s6  }
0xf: {  	[smem:$0x3F95] =	sst s7  }
0x10: {  	[smem:$0x3F96] =	sst s8  }
0x11: {  	[smem:$0x3F97] =	sst s9;
	s0 =	simm.s32 @!p0 $0x0  }
0x12: {  	s1 =	sld [smem:$0x3F7D];
	s0 =	simm.s32 @p0 $0x1  }
0x13: {  	[smem:$0x3F98] =	sst s0;
	s0 =	simm.s32 @!p1 $0x0  }
0x14: {  	s2 =	sld [smem:$0x3F7C];
	s0 =	simm.s32 @p1 $0x1  }
0x15: {  	[smem:$0x3F99] =	sst s0;
	s0 =	simm.s32 @!p2 $0x0  }
0x16: {  	s3 =	sld [smem:$0x3FDB];
	s0 =	simm.s32 @p2 $0x1  }
0x17: {  	s4 =	simm.s32 $0x1BF5;
	[smem:$0x3F9B] =	sst s0  }
0x18: {  	s0 =	sld [smem:$0x3F7E];
	_ =	swait.ge [sflag:s4], $0x0  }
0x19: {  	s7 =	sld [smem:$0x3F7F]  }
0x1a: {  	s8 =	sadd.s32 $0xFFFFE003, lr  }
0x1b: {  	s9 =	sadd.s32 $0xFFFFFEF7, lr;
	s5 =	simm.s32 $0xFFFFFFFF;
	p2 =	slt.u32 s8, $0xFFFFF086  }
0x1c: {  	p1 =	slt.u32 s9, $0xF7A;
	s5 =	simm.s32 @!p2 $0x0  }
0x1d: {  	s5 =	simm.s32 @p1 $0x1;
	p0 =	seq.s32 s7, s2  }
0x1e: {  	s7 =	smul.u32 @!p0 $0xF7A, s2;
	p2 =	seq.s32 @!p0 s5, $0x0  }
0x1f: {  	s9 =	smul.u32 $0xF7A, s1;
	s8 =	simm.s32 @!p0 $0x1BF5;
	p2 =	por !p2, p0  }
0x20: {  	[sflag:s8] =	ssyncset.s32 @!p0 $0xFFFFF086;
	s6 =	sadd.s32 @!p0 s3, s7;
	s7 =	simm.s32 @!p0 $0x108  }
0x21: {  	s3 =	sadd.s32 s3, s9;
	s6 =	sadd.s32 @!p0 $0x88, s6;
	s7 =	simm.s32 @p2 $0x1082  }
0x22: {  	[simem:s7], [sflag:s8] =	dma.local @!p0 [hbm:s6], $0xF7A  }
0x23: {  	s9 =	sor.u32 $0xD0000000, s2;
	s6 =	simm.s32 $0x108;
	_ =	swait.ge @!p0 [sflag:s8], $0x0  }
0x24: {  	s3 =	sadd.s32 $0x88, s3;
	s6 =	simm.s32 @!p1 $0x1082;
	[sflag:s4] =	ssyncset.s32 $0xFFFFF086  }
0x25: {  	[simem:s6], [sflag:s4] =	dma.local [hbm:s3], $0xF7A  }
0x26: {  	[smem:$0x3F7F] =	sst s1;
	(tag) =	ssettag s2;
	_ =	strace s9  }
0x27: {  	s1 =	sld [smem:$0x3F8F]  }
0x28: {  	s2 =	sld [smem:$0x3F90]  }
0x29: {  	s4 =	sld [smem:$0x3F92]  }
0x2a: {  	p0 =	seq.s32 s5, $0x0;
	s5 =	sld [smem:$0x3F93]  }
0x2b: {  	s6 =	sld [smem:$0x3F94]  }
0x2c: {  	s7 =	sld [smem:$0x3F95]  }
0x2d: {  	s3 =	simm.s32 $0x108;
	s8 =	sld [smem:$0x3F96]  }
0x2e: {  	s3 =	simm.s32 @!p0 $0x1082;
	s9 =	sld [smem:$0x3F97]  }
0x2f: {  	lr =	sadd.s32 s0, s3;
	s0 =	sld [smem:$0x3F8E]  }
0x30: {  	s3 =	sld [smem:$0x3F91]  }
0x31: {  	[smem:$0x3F9A] =	sst s10  }
0x32: {  	s10 =	sld [smem:$0x3F98];
	_ =	sdelay $0x3  }
0x33: {  	p0 =	seq.s32 s10, $0x1;
	s10 =	sld [smem:$0x3F9A];
	_ =	sdelay $0x3  }
0x34: {  	[smem:$0x3F9A] =	sst s10  }
0x35: {  	s10 =	sld [smem:$0x3F99];
	_ =	sdelay $0x3  }
0x36: {  	p1 =	seq.s32 s10, $0x1;
	s10 =	sld [smem:$0x3F9A];
	_ =	sdelay $0x3  }
0x37: {  	[smem:$0x3F9A] =	sst s10  }
0x38: {  	s10 =	sld [smem:$0x3F9B]  }
0x39: {  	_ = 	snop;
	(pc) =	sbr.ind lr, $3  }
0x3a: {  	_ = 	snop  }
0x3b: {  	_ = 	snop  }
0x3c: {  	p2 =	seq.s32 s10, $0x1;
	s10 =	sld [smem:$0x3F9A]  }
0x3d: {  	_ =	shalt  }
0x3e: {  	_ =	shalt  }
0x3f: {  	_ =	shalt  }
0x40: {  	_ =	shalt  }
0x41: {  	_ =	shalt  }
0x42: {  	_ =	shalt  }
0x43: {  	_ =	shalt  }
0x44: {  	_ =	shalt  }
0x45: {  	_ =	shalt  }
0x46: {  	_ =	shalt  }
0x47: {  	_ =	shalt  }
0x48: {  	_ =	shalt  }
0x49: {  	_ =	shalt  }
0x4a: {  	_ =	shalt  }
0x4b: {  	_ =	shalt  }
0x4c: {  	_ =	shalt  }
0x4d: {  	_ =	shalt  }
0x4e: {  	_ =	shalt  }
0x4f: {  	_ =	shalt  }
0x50: {  	_ =	shalt  }
0x51: {  	_ =	shalt  }
0x52: {  	_ =	shalt  }
0x53: {  	_ =	shalt  }
0x54: {  	_ =	shalt  }
0x55: {  	_ =	shalt  }
0x56: {  	_ =	shalt  }
0x57: {  	_ =	shalt  }
0x58: {  	_ =	shalt  }
0x59: {  	_ =	shalt  }
0x5a: {  	_ =	shalt  }
0x5b: {  	_ =	shalt  }
0x5c: {  	_ =	shalt  }
0x5d: {  	_ =	shalt  }
0x5e: {  	_ =	shalt  }
0x5f: {  	_ =	shalt  }
0x60: {  	_ =	shalt  }
0x61: {  	_ =	shalt  }
0x62: {  	_ =	shalt  }
0x63: {  	_ =	shalt  }
0x64: {  	_ =	shalt  }
0x65: {  	_ =	shalt  }
0x66: {  	_ =	shalt  }
0x67: {  	_ =	shalt  }
0x68: {  	_ =	shalt  }
0x69: {  	_ =	shalt  }
0x6a: {  	_ =	shalt  }
0x6b: {  	_ =	shalt  }
0x6c: {  	_ =	shalt  }
0x6d: {  	_ =	shalt  }
0x6e: {  	_ =	shalt  }
0x6f: {  	_ =	shalt  }
0x70: {  	_ =	shalt  }
0x71: {  	_ =	shalt  }
0x72: {  	_ =	shalt  }
0x73: {  	_ =	shalt  }
0x74: {  	_ =	shalt  }
0x75: {  	_ =	shalt  }
0x76: {  	_ =	shalt  }
0x77: {  	_ =	shalt  }
0x78: {  	_ =	shalt  }
0x79: {  	_ =	shalt  }
0x7a: {  	_ =	shalt  }
0x7b: {  	_ =	shalt  }
0x7c: {  	_ =	shalt  }
0x7d: {  	_ =	shalt  }
0x7e: {  	_ =	shalt  }
0x7f: {  	_ =	shalt  }
0x80: {  	_ =	shalt  }
0x81: {  	_ =	shalt  }
0x82: {  	_ =	shalt  }
0x83: {  	_ =	shalt  }
0x84: {  	_ =	shalt  }
0x85: {  	_ =	shalt  }
0x86: {  	_ =	shalt  }
0x87: {  	_ =	shalt  }
.Lfunc_end0:
.L_simem_size_0:
called_computation.1_lowered:
.L_overlay_start_0:
0x88: {  	s2 =	sld [smem:$0x3FD9]  }
0x89: {  	s3 =	sld [smem:$0x3FFE];
	_ =	sdelay $0x1  }
0x8a: {  	s1 =	srdreg.scid  }
0x8b: {  	s0 =	sand.u32 $0x1, s1  }
0x8c: {  	s16 =	sshll.u32 s0, $0xA;
	s2 =	sadd.s32 s3, s2  }
0x8d: {  	s2 =	sadd.s32 s2, s16  }
0x8e: {  	[smem:$0x3FA6] =	sst s2  }
0x8f: {  	_ = 	snop  }
0x90: {  	(tm) =	ssettm $0x1  }
0x91: {  	s17 =	sld [smem:$0x3FFB];
	_ =	sdelay $0x3  }
0x92: {  	_ =	strace s17  }
0x93: {  	s2 =	sld [smem:$0x3FFC];
	_ =	sdelay $0x3  }
0x94: {  	_ =	strace s2  }
0x95: {  	s2 =	sld [smem:$0x3FFD];
	_ =	sdelay $0x3  }
0x96: {  	_ =	strace s2  }
0x97: {  	_ =	strace $0x8FFFFFFF  }
0x98: {  	s18 =	sld [smem:$0x3FDB];
	_ =	sdelay $0x1  }
0x99: {  	s19 =	simm.s32 $_scs_section_size  }
0x9a: {  	s4 =	simm.s32 $_size__tile_overlayer_lowered;
	s5 =	simm.s32 $_tile_overlayer_lowered  }
0x9b: {  	s22 =	simm.s32 $0x1BFF;
	s21 =	sshll.u32 s5, $0x1;
	s2 =	sadd.s32 s19, s18  }
0x9c: {  	s6 =	simm.s32 $0x0;
	s20 =	sshll.u32 s4, $0x1;
	s4 =	sadd.s32 s21, s2  }
0x9d: {  	[timem:s6], [sflag:s22] =	dma.local [hbm:s4], s20  }
0x9e: {  	_ =	swait.ge [sflag:s22], s20  }
0x9f: {  	s3 =	ssub.s32 $0x0, s20;
	[sflag:s22] =	ssyncset.done $0x0  }
0xa0: {  	[sflag:s22] =	ssyncadd.s32 s3;
	_ =	sdelay $0x1  }
0xa1: {  	s23 =	simm.s32 $0x1B8B  }
0xa2: {  	_ =	swait.ge [sflag:s23], $0x1  }
0xa3: {  	[sflag:s23] =	ssyncset.done $0x0  }
0xa4: {  	s25 =	simm.s32 $0x1B8E;
	s24 =	sld [smem:$0x3FFE];
	[sflag:s23] =	ssyncadd.s32 $0xFFFFFFFF  }
0xa5: {  	s26 =	simm.s32 $execute0_lowered;
	[smem:$0x3FD2] =	sst s25  }
0xa6: {  	s4 =	sshll.u32 s26, $0x1;
	_ =	strace $0x80000049;
	[dreg:$0x1] =	wrdreg $0xFFFFFFFF  }
0xa7: {  	s28 =	simm.s32 $_size_execute0_lowered;
	s2 =	sadd.s32 s2, s4;
	[dreg:$0x0] =	wrdreg $0x0  }
0xa8: {  	s4 =	sshll.u32 s28, $0x1;
	[dreg:$0x2] =	wrdreg s2  }
0xa9: {  	[dreg:$0x3] =	wrdreg s4  }
0xaa: {  	[dreg:$0x4] =	wrdreg $0xC0  }
0xab: {  	_ =	task [dreg:s6], $0x5FFFF  }
0xac: {  	[dreg:$0x1] =	wrdreg $0xFFFFFFFF  }
0xad: {  	[dreg:$0x0] =	wrdreg $0x60  }
0xae: {  	[dreg:$0x2] =	wrdreg s24  }
0xaf: {  	[dreg:$0x3] =	wrdreg $0x90000  }
0xb0: {  	[dreg:$0x4] =	wrdreg $0x9  }
0xb1: {  	_ =	task.clear_ibuf [dreg:s6], $0x5FFFF;
	_ =	strace $0x90000049  }
0xb2: {  	s29 =	simm.s32 $0x9;
	_ =	strace $0x8000004B  }
0xb3: {  	_ =	swait.ge [sflag:s29], $0x1  }
0xb4: {  	[sflag:s29] =	ssyncadd.s32 $0xFFFFFFFF  }
0xb5: {  	_ =	strace $0x9000004B  }
0xb6: {  	_ =	sfence  }
0xb7: {  	s30 =	sld [smem:$0x0];
	_ =	sdelay $0x2  }
0xb8: {  	s31 =	sshll.u32 s1, $0xD;
	s1 =	sshrl.u32 s1, $0x2  }
0xb9: {  	s3 =	sand.u32 $0x4000, s31;
	s1 =	sadd.s32 s1, s30  }
0xba: {  	s0 =	sor.u32 s3, s0;
	s1 =	sshll.u32 s1, $0x11  }
0xbb: {  	s0 =	sor.u32 s1, s0  }
0xbc: {  	s0 =	sadd.s32 $0x8F2B, s0  }
0xbd: {  	[sflag:s0] =	ssyncadd.remote.s32 $0x1  }
0xbe: {  	_ =	sfence.sel $0xFFFF  }
0xbf: {  	[dreg:$0x0] =	wrdreg $0xFFFFFFFF;
	(pc) =	sbr.abs _section_cstart, $3  }
0xc0: {  	[dreg:$0x1] =	wrdreg $0xFFFFFFFF  }
0xc1: {  	_ =	task.clear_ibuf [dreg:s6], $0x2FFFF;
	_ =	strace $0x9FFFFFFF  }
0xc2: {  	(tm) =	ssettm $0x7FFFFFFF  }
0xc3: {  	_ =	shalt  }
tec
execute0_lowered:
.L_overlay_start_1:
0x0: {  	(tag) =	ssettag $0x1  }
0x1: {  	s1 =	srdreg.scid  }
0x2: {  	s0 =	stileid.u32;
	s6 =	rddreg [dreg:$0x0]  }
0x3: {  	s2 =	rddreg [dreg:$0x1];
	s3 =	simm.s32 $0x0;
	s14 =	simm.s32 $0x7D  }
0x4: {  	s15 =	simm.s32 $0x5000;
	s16 =	simm.s32 $0x1;
	s17 =	simm.s32 $0x0  }
0x5: {  	s5 =	sand.u32 $0x1, s1;
	s29 =	sshll.u32 s0, $0x1;
	s9 =	smul.u32 $0x14000, s0  }
0x6: {  	[smem:$0x7FF] =	sst s3;
	s4 =	sadd.s32 $0x19C00, s6;
	s11 =	smul.u32 $0x50000, s0  }
0x7: {  	s12 =	sshll.u32 s0, $0x6;
	s1 =	sor.u32 s5, s29;
	s8 =	smul.u32 $0x140000, s5  }
0x8: {  	s30 =	ssub.s32 $0x2, s5;
	s5 =	sadd.s32 $0x40E00, s6;
	s12 =	sor.u32 $0x1C02, s12  }
0x9: {  	s7 =	smul.u32 $0x500, s1;
	s1 =	rddreg [dreg:$0x2];
	_ =	strace $0x8000004A  }
0xa: {  	s10 =	sshrl.u32 s30, $0x1;
	s31 =	sshrl.u32 s11, $0x2;
	s11 =	simm.s32 $0x2800  }
0xb: {  	s8 =	sadd.s32 s9, s8;
	s9 =	ssub.s32 s30, s10;
	s13 =	sadd.s32 s31, s2  }
0xc: {  	s10 =	simm.s32 $0x2;
	s7 =	sadd.s32 s7, s6;
	s8 =	sshrl.u32 s8, $0x3  }
0xd: {  	s9 =	smax.u32 s9, $0x1;
	s13 =	sshrl.u32 s13, $0x3;
	s8 =	sadd.s32 s8, s6  }
0xe: {  	s6 =	sadd.s32 $0x5C00, s7;
	s7 =	sadd.s32 $0xFC00, s7;
	s8 =	sadd.s32 $0x43600, s8  }
.LBB2_1:
0xf: {  	[tilespmem:s3], [sflag:$0x2] =	stream.linear.gather [hbm4b:s6+s3], $0x2800, $0x38;
	[tilespmem:$0x1D000] =	vst v63  }
0x10: {  	_ =	swait.ge [sflag:s10], $0x2800  }
0x11: {  	[sflag:s10] =	ssyncset.done $0x0  }
0x12: {  	[sflag:s10] =	ssyncadd.s32 $0xFFFFD800  }
0x13: {  	[tilespmem:s11], [sflag:$0x2] =	stream.linear.gather [hbm4b:s7+s3], $0x2800, $0x38;
	[tilespmem:$0x1D000] =	vst v63  }
0x14: {  	_ =	swait.ge [sflag:s10], $0x2800  }
0x15: {  	[sflag:s10] =	ssyncset.done $0x0  }
0x16: {  	[sflag:s10] =	ssyncadd.s32 $0xFFFFD800  }
0x17: {  	[spmem:s13], [sflag:s12] =	dma.local [hbm:s5], $0x2800  }
0x18: {  	_ =	swait.ge [sflag:s10], $0x2800  }
0x19: {  	[sflag:s10] =	ssyncset.done $0x0  }
0x1a: {  	[sflag:s10] =	ssyncadd.s32 $0xFFFFD800  }
0x1b: {  	s18 =	simm.s32 $0x0;
	[bflag:$0x0] =	sbarrier.arrive $0xFFFF  }
0x1c: {  	[tilespmem:s15], [sflag:$0x1] =	stream.indirect.gather [hbm4b:s4+s14], $0x80, s18, s14, $0xb8;
	[tilespmem:$0x1D000] =	vst v63  }
0x1d: {  	_ =	swait.ge [sflag:s16], $0x3E80  }
0x1e: {  	[sflag:s16] =	ssyncset.done $0x0  }
0x1f: {  	s31 =	simm.s32 $0x2800;
	[sflag:s16] =	ssyncadd.s32 $0xFFFFC180  }
0x20: {  	[spmem:s2] =	stream.indirect.scatter.add.f32 [tilespmem:s15], [sflag:$0x2], $0x80, s31, s14, $0xb8;
	[tilespmem:$0x1D000] =	vst v63  }
0x21: {  	_ =	swait.ge [sflag:s10], $0x3E80  }
0x22: {  	s19 =	simm.s32 $0x400;
	s18 =	simm.s32 $0x200;
	[sflag:s10] =	ssyncset.done $0x0  }
.LBB2_2:
0x23: {  	s20 =	sshra.s32 s18, $0x2  }
0x24: {  	[sflag:s10] =	ssyncadd.s32 $0xFFFFC180;
	s18 =	smov.u32 s19;
	s21 =	sadd.s32 $0x200, s19  }
0x25: {  	[tilespmem:s15], [sflag:$0x1] =	stream.indirect.gather [hbm4b:s4+s14], $0x80, s20, s14, $0xb8;
	[tilespmem:$0x1D000] =	vst v63  }
0x26: {  	p0 =	sne.s32 s19, $0x9E00;
	_ =	swait.ge [sflag:s16], $0x3E80  }
.Ltmp0:
0x27: {  	[sflag:s16] =	ssyncset.done $0x0;
	(pc) =	sbr.rel @p0 .LBB2_2-.Ltmp0, $4  }
0x28: {  	s19 =	sadd.s32 $0x2800, s20;
	[sflag:s16] =	ssyncadd.s32 $0xFFFFC180  }
0x29: {  	[spmem:s2] =	stream.indirect.scatter.add.f32 [tilespmem:s15], [sflag:$0x2], $0x80, s19, s14, $0xb8;
	[tilespmem:$0x1D000] =	vst v63  }
0x2a: {  	_ =	swait.ge [sflag:s10], $0x3E80  }
0x2b: {  	s19 =	smov.u32 s21;
	[sflag:s10] =	ssyncset.done $0x0  }
0x2c: {  	s18 =	sshra.s32 s18, $0x2;
	[sflag:s10] =	ssyncadd.s32 $0xFFFFC180  }
0x2d: {  	[tilespmem:s15], [sflag:$0x1] =	stream.indirect.gather [hbm4b:s4+s14], $0x80, s18, s14, $0xb8;
	[tilespmem:$0x1D000] =	vst v63  }
0x2e: {  	_ =	swait.ge [sflag:s16], $0x3E80  }
0x2f: {  	[sflag:s16] =	ssyncset.done $0x0  }
0x30: {  	s18 =	sadd.s32 $0x2800, s18;
	[sflag:s16] =	ssyncadd.s32 $0xFFFFC180  }
0x31: {  	[spmem:s2] =	stream.indirect.scatter.add.f32 [tilespmem:s15], [sflag:$0x2], $0x80, s18, s14, $0xb8;
	[tilespmem:$0x1D000] =	vst v63  }
0x32: {  	_ =	swait.ge [sflag:s10], $0x3E80  }
0x33: {  	s17 =	sadd.s32 $0x1, s17;
	[sflag:s10] =	ssyncset.done $0x0  }
0x34: {  	p0 =	sne.s32 s17, s9;
	[sflag:s10] =	ssyncadd.s32 $0xFFFFC180  }
.Ltmp1:
0x35: {  	[bflag:$0x0] =	sbarrier.arrive $0xFFFF;
	(pc) =	sbr.rel @p0 .LBB2_1-.Ltmp1, $4  }
0x36: {  	[hbm:s8], [sflag:s12] =	dma.local [spmem:s13], $0x2800  }
0x37: {  	_ =	swait.ge [sflag:s10], $0x2800  }
0x38: {  	[sflag:s10] =	ssyncset.done $0x0  }
0x39: {  	[sflag:s10] =	ssyncadd.s32 $0xFFFFD800  }
0x3a: {  	_ =	sfence.sel $0x180000  }
0x3b: {  	[bflag:$0x0] =	sbarrier.arrive $0xFFFF  }
0x3c: {  	p0 =	sne.s32 s0, $0x0;
	_ =	strace $0x9000004A  }
0x3d: {  	s0 =	sadd.s32 @!p0 $0x100000, s1;
	[bflag:$0x2] =	sbarrier.arrive $0xFFFF  }
0x3e: {  	[sflag:s0] =	ssyncadd.tile.s32 @!p0 $0x1;
	_ =	shalt  }
.Lfunc_end2:
_tile_overlayer_lowered:
.L_overlay_start_2:
0x3f: {  	(tag) =	ssettag $0x2  }
0x40: {  	s0 =	rddreg [dreg:$0x0];
	s2 =	stileid.u32  }
0x41: {  	s1 =	rddreg [dreg:$0x1];
	p0 =	sne.s32 s2, $0x0  }
0x42: {  	s3 =	rddreg [dreg:$0x2];
	[bflag:$0x3] =	sbarrier.arrive $0xFFFF;
	s2 =	simm.s32 @!p0 $0x1C02  }
0x43: {  	[timem:s3], [sflag:s2] =	dma.local @!p0 [hbm:s0], s1  }
0x44: {  	s0 =	simm.s32 @!p0 $0x2  }
0x45: {  	_ =	swait.ge @!p0 [sflag:s0], s1  }
0x46: {  	s1 =	ssub.s32 @!p0 $0x0, s1;
	[sflag:s0] =	ssyncset.done @!p0 $0x0  }
0x47: {  	[sflag:s0] =	ssyncadd.s32 @!p0 s1  }
0x48: {  	[bflag:$0x3] =	sbarrier.arrive $0xFFFF  }
0x49: {  	_ =	shalt  }

// kernel: kernel.16.cloned.1.call-start
scs
__scs_entry_jumppad:
0x0: {  	(pc) =	sbr.rel $0x88, $3  }
0x1: {  	(tag) =	ssettag $0x0;
	lr =	simm.s32 $0x1  }
0x2: {  	[smem:$0x3F7F] =	sst lr;
	_ =	strace $0xD0000000  }
0x3: {  	_ = 	snop  }
0x4: {  	_ = 	snop  }
0x5: {  	_ = 	snop  }
0x6: {  	_ = 	snop  }
0x7: {  	_ = 	snop  }
__scs_overlays_trampoline_lowered:
0x8: {  	[smem:$0x3F8E] =	sst s0  }
0x9: {  	[smem:$0x3F8F] =	sst s1  }
0xa: {  	[smem:$0x3F90] =	sst s2  }
0xb: {  	[smem:$0x3F91] =	sst s3  }
0xc: {  	[smem:$0x3F92] =	sst s4  }
0xd: {  	[smem:$0x3F93] =	sst s5  }
0xe: {  	[smem:$0x3F94] =	sst s6  }
0xf: {  	[smem:$0x3F95] =	sst s7  }
0x10: {  	[smem:$0x3F96] =	sst s8  }
0x11: {  	[smem:$0x3F97] =	sst s9;
	s0 =	simm.s32 @!p0 $0x0  }
0x12: {  	s1 =	sld [smem:$0x3F7D];
	s0 =	simm.s32 @p0 $0x1  }
0x13: {  	[smem:$0x3F98] =	sst s0;
	s0 =	simm.s32 @!p1 $0x0  }
0x14: {  	s2 =	sld [smem:$0x3F7C];
	s0 =	simm.s32 @p1 $0x1  }
0x15: {  	[smem:$0x3F99] =	sst s0;
	s0 =	simm.s32 @!p2 $0x0  }
0x16: {  	s3 =	sld [smem:$0x3FDB];
	s0 =	simm.s32 @p2 $0x1  }
0x17: {  	s4 =	simm.s32 $0x1BF5;
	[smem:$0x3F9B] =	sst s0  }
0x18: {  	s0 =	sld [smem:$0x3F7E];
	_ =	swait.ge [sflag:s4], $0x0  }
0x19: {  	s7 =	sld [smem:$0x3F7F]  }
0x1a: {  	s8 =	sadd.s32 $0xFFFFE003, lr  }
0x1b: {  	s9 =	sadd.s32 $0xFFFFFEF7, lr;
	s5 =	simm.s32 $0xFFFFFFFF;
	p2 =	slt.u32 s8, $0xFFFFF086  }
0x1c: {  	p1 =	slt.u32 s9, $0xF7A;
	s5 =	simm.s32 @!p2 $0x0  }
0x1d: {  	s5 =	simm.s32 @p1 $0x1;
	p0 =	seq.s32 s7, s2  }
0x1e: {  	s7 =	smul.u32 @!p0 $0xF7A, s2;
	p2 =	seq.s32 @!p0 s5, $0x0  }
0x1f: {  	s9 =	smul.u32 $0xF7A, s1;
	s8 =	simm.s32 @!p0 $0x1BF5;
	p2 =	por !p2, p0  }
0x20: {  	[sflag:s8] =	ssyncset.s32 @!p0 $0xFFFFF086;
	s6 =	sadd.s32 @!p0 s3, s7;
	s7 =	simm.s32 @!p0 $0x108  }
0x21: {  	s3 =	sadd.s32 s3, s9;
	s6 =	sadd.s32 @!p0 $0x88, s6;
	s7 =	simm.s32 @p2 $0x1082  }
0x22: {  	[simem:s7], [sflag:s8] =	dma.local @!p0 [hbm:s6], $0xF7A  }
0x23: {  	s9 =	sor.u32 $0xD0000000, s2;
	s6 =	simm.s32 $0x108;
	_ =	swait.ge @!p0 [sflag:s8], $0x0  }
0x24: {  	s3 =	sadd.s32 $0x88, s3;
	s6 =	simm.s32 @!p1 $0x1082;
	[sflag:s4] =	ssyncset.s32 $0xFFFFF086  }
0x25: {  	[simem:s6], [sflag:s4] =	dma.local [hbm:s3], $0xF7A  }
0x26: {  	[smem:$0x3F7F] =	sst s1;
	(tag) =	ssettag s2;
	_ =	strace s9  }
0x27: {  	s1 =	sld [smem:$0x3F8F]  }
0x28: {  	s2 =	sld [smem:$0x3F90]  }
0x29: {  	s4 =	sld [smem:$0x3F92]  }
0x2a: {  	p0 =	seq.s32 s5, $0x0;
	s5 =	sld [smem:$0x3F93]  }
0x2b: {  	s6 =	sld [smem:$0x3F94]  }
0x2c: {  	s7 =	sld [smem:$0x3F95]  }
0x2d: {  	s3 =	simm.s32 $0x108;
	s8 =	sld [smem:$0x3F96]  }
0x2e: {  	s3 =	simm.s32 @!p0 $0x1082;
	s9 =	sld [smem:$0x3F97]  }
0x2f: {  	lr =	sadd.s32 s0, s3;
	s0 =	sld [smem:$0x3F8E]  }
0x30: {  	s3 =	sld [smem:$0x3F91]  }
0x31: {  	[smem:$0x3F9A] =	sst s10  }
0x32: {  	s10 =	sld [smem:$0x3F98];
	_ =	sdelay $0x3  }
0x33: {  	p0 =	seq.s32 s10, $0x1;
	s10 =	sld [smem:$0x3F9A];
	_ =	sdelay $0x3  }
0x34: {  	[smem:$0x3F9A] =	sst s10  }
0x35: {  	s10 =	sld [smem:$0x3F99];
	_ =	sdelay $0x3  }
0x36: {  	p1 =	seq.s32 s10, $0x1;
	s10 =	sld [smem:$0x3F9A];
	_ =	sdelay $0x3  }
0x37: {  	[smem:$0x3F9A] =	sst s10  }
0x38: {  	s10 =	sld [smem:$0x3F9B]  }
0x39: {  	_ = 	snop;
	(pc) =	sbr.ind lr, $3  }
0x3a: {  	_ = 	snop  }
0x3b: {  	_ = 	snop  }
0x3c: {  	p2 =	seq.s32 s10, $0x1;
	s10 =	sld [smem:$0x3F9A]  }
0x3d: {  	_ =	shalt  }
0x3e: {  	_ =	shalt  }
0x3f: {  	_ =	shalt  }
0x40: {  	_ =	shalt  }
0x41: {  	_ =	shalt  }
0x42: {  	_ =	shalt  }
0x43: {  	_ =	shalt  }
0x44: {  	_ =	shalt  }
0x45: {  	_ =	shalt  }
0x46: {  	_ =	shalt  }
0x47: {  	_ =	shalt  }
0x48: {  	_ =	shalt  }
0x49: {  	_ =	shalt  }
0x4a: {  	_ =	shalt  }
0x4b: {  	_ =	shalt  }
0x4c: {  	_ =	shalt  }
0x4d: {  	_ =	shalt  }
0x4e: {  	_ =	shalt  }
0x4f: {  	_ =	shalt  }
0x50: {  	_ =	shalt  }
0x51: {  	_ =	shalt  }
0x52: {  	_ =	shalt  }
0x53: {  	_ =	shalt  }
0x54: {  	_ =	shalt  }
0x55: {  	_ =	shalt  }
0x56: {  	_ =	shalt  }
0x57: {  	_ =	shalt  }
0x58: {  	_ =	shalt  }
0x59: {  	_ =	shalt  }
0x5a: {  	_ =	shalt  }
0x5b: {  	_ =	shalt  }
0x5c: {  	_ =	shalt  }
0x5d: {  	_ =	shalt  }
0x5e: {  	_ =	shalt  }
0x5f: {  	_ =	shalt  }
0x60: {  	_ =	shalt  }
0x61: {  	_ =	shalt  }
0x62: {  	_ =	shalt  }
0x63: {  	_ =	shalt  }
0x64: {  	_ =	shalt  }
0x65: {  	_ =	shalt  }
0x66: {  	_ =	shalt  }
0x67: {  	_ =	shalt  }
0x68: {  	_ =	shalt  }
0x69: {  	_ =	shalt  }
0x6a: {  	_ =	shalt  }
0x6b: {  	_ =	shalt  }
0x6c: {  	_ =	shalt  }
0x6d: {  	_ =	shalt  }
0x6e: {  	_ =	shalt  }
0x6f: {  	_ =	shalt  }
0x70: {  	_ =	shalt  }
0x71: {  	_ =	shalt  }
0x72: {  	_ =	shalt  }
0x73: {  	_ =	shalt  }
0x74: {  	_ =	shalt  }
0x75: {  	_ =	shalt  }
0x76: {  	_ =	shalt  }
0x77: {  	_ =	shalt  }
0x78: {  	_ =	shalt  }
0x79: {  	_ =	shalt  }
0x7a: {  	_ =	shalt  }
0x7b: {  	_ =	shalt  }
0x7c: {  	_ =	shalt  }
0x7d: {  	_ =	shalt  }
0x7e: {  	_ =	shalt  }
0x7f: {  	_ =	shalt  }
0x80: {  	_ =	shalt  }
0x81: {  	_ =	shalt  }
0x82: {  	_ =	shalt  }
0x83: {  	_ =	shalt  }
0x84: {  	_ =	shalt  }
0x85: {  	_ =	shalt  }
0x86: {  	_ =	shalt  }
0x87: {  	_ =	shalt  }
.Lfunc_end0:
.L_simem_size_0:
called_computation.2_lowered:
.L_overlay_start_0:
0x88: {  	s2 =	sld [smem:$0x3FD9]  }
0x89: {  	s3 =	sld [smem:$0x3FFE];
	_ =	sdelay $0x1  }
0x8a: {  	s1 =	srdreg.scid  }
0x8b: {  	s0 =	sand.u32 $0x1, s1  }
0x8c: {  	s16 =	sshll.u32 s0, $0xA;
	s2 =	sadd.s32 s3, s2  }
0x8d: {  	s2 =	sadd.s32 s2, s16  }
0x8e: {  	[smem:$0x3FA6] =	sst s2  }
0x8f: {  	_ = 	snop  }
0x90: {  	(tm) =	ssettm $0x1  }
0x91: {  	s17 =	sld [smem:$0x3FFB];
	_ =	sdelay $0x3  }
0x92: {  	_ =	strace s17  }
0x93: {  	s2 =	sld [smem:$0x3FFC];
	_ =	sdelay $0x3  }
0x94: {  	_ =	strace s2  }
0x95: {  	s2 =	sld [smem:$0x3FFD];
	_ =	sdelay $0x3  }
0x96: {  	_ =	strace s2  }
0x97: {  	_ =	strace $0x8FFFFFFF  }
0x98: {  	s18 =	sld [smem:$0x3FDB];
	_ =	sdelay $0x1  }
0x99: {  	s19 =	simm.s32 $_scs_section_size  }
0x9a: {  	s4 =	simm.s32 $_size__tile_overlayer_lowered;
	s5 =	simm.s32 $_tile_overlayer_lowered  }
0x9b: {  	s22 =	simm.s32 $0x1BFF;
	s21 =	sshll.u32 s5, $0x1;
	s2 =	sadd.s32 s19, s18  }
0x9c: {  	s6 =	simm.s32 $0x0;
	s20 =	sshll.u32 s4, $0x1;
	s4 =	sadd.s32 s21, s2  }
0x9d: {  	[timem:s6], [sflag:s22] =	dma.local [hbm:s4], s20  }
0x9e: {  	_ =	swait.ge [sflag:s22], s20  }
0x9f: {  	s3 =	ssub.s32 $0x0, s20;
	[sflag:s22] =	ssyncset.done $0x0  }
0xa0: {  	[sflag:s22] =	ssyncadd.s32 s3;
	_ =	sdelay $0x1  }
0xa1: {  	s23 =	simm.s32 $0x1B8B  }
0xa2: {  	_ =	swait.ge [sflag:s23], $0x1  }
0xa3: {  	[sflag:s23] =	ssyncset.done $0x0  }
0xa4: {  	s25 =	simm.s32 $0x1B8E;
	s24 =	sld [smem:$0x3FFE];
	[sflag:s23] =	ssyncadd.s32 $0xFFFFFFFF  }
0xa5: {  	s26 =	simm.s32 $execute0_lowered;
	[smem:$0x3FD2] =	sst s25  }
0xa6: {  	s4 =	sshll.u32 s26, $0x1;
	_ =	strace $0x8000004C;
	[dreg:$0x1] =	wrdreg $0xFFFFFFFF  }
0xa7: {  	s28 =	simm.s32 $_size_execute0_lowered;
	s2 =	sadd.s32 s2, s4;
	[dreg:$0x0] =	wrdreg $0x0  }
0xa8: {  	s4 =	sshll.u32 s28, $0x1;
	[dreg:$0x2] =	wrdreg s2  }
0xa9: {  	[dreg:$0x3] =	wrdreg s4  }
0xaa: {  	[dreg:$0x4] =	wrdreg $0xC0  }
0xab: {  	_ =	task [dreg:s6], $0x5FFFF  }
0xac: {  	[dreg:$0x1] =	wrdreg $0xFFFFFFFF  }
0xad: {  	[dreg:$0x0] =	wrdreg $0x60  }
0xae: {  	[dreg:$0x2] =	wrdreg s24  }
0xaf: {  	[dreg:$0x3] =	wrdreg $0x90000  }
0xb0: {  	[dreg:$0x4] =	wrdreg $0x9  }
0xb1: {  	_ =	task.clear_ibuf [dreg:s6], $0x5FFFF;
	_ =	strace $0x9000004C  }
0xb2: {  	s29 =	simm.s32 $0x9;
	_ =	strace $0x8000004E  }
0xb3: {  	_ =	swait.ge [sflag:s29], $0x1  }
0xb4: {  	[sflag:s29] =	ssyncadd.s32 $0xFFFFFFFF  }
0xb5: {  	_ =	strace $0x9000004E  }
0xb6: {  	_ =	sfence  }
0xb7: {  	s30 =	sld [smem:$0x0];
	_ =	sdelay $0x2  }
0xb8: {  	s31 =	sshll.u32 s1, $0xD;
	s1 =	sshrl.u32 s1, $0x2  }
0xb9: {  	s3 =	sand.u32 $0x4000, s31;
	s1 =	sadd.s32 s1, s30  }
0xba: {  	s0 =	sor.u32 s3, s0;
	s1 =	sshll.u32 s1, $0x11  }
0xbb: {  	s0 =	sor.u32 s1, s0  }
0xbc: {  	s0 =	sadd.s32 $0x8F2B, s0  }
0xbd: {  	[sflag:s0] =	ssyncadd.remote.s32 $0x1  }
0xbe: {  	_ =	sfence.sel $0xFFFF  }
0xbf: {  	[dreg:$0x0] =	wrdreg $0xFFFFFFFF;
	(pc) =	sbr.abs _section_cstart, $3  }
0xc0: {  	[dreg:$0x1] =	wrdreg $0xFFFFFFFF  }
0xc1: {  	_ =	task.clear_ibuf [dreg:s6], $0x2FFFF;
	_ =	strace $0x9FFFFFFF  }
0xc2: {  	(tm) =	ssettm $0x7FFFFFFF  }
0xc3: {  	_ =	shalt  }
tec
execute0_lowered:
.L_overlay_start_1:
0x0: {  	(tag) =	ssettag $0x1  }
0x1: {  	s1 =	srdreg.scid  }
0x2: {  	s0 =	stileid.u32;
	s6 =	rddreg [dreg:$0x0]  }
0x3: {  	s2 =	rddreg [dreg:$0x1];
	s3 =	simm.s32 $0x0;
	s14 =	simm.s32 $0x7D  }
0x4: {  	s15 =	simm.s32 $0x5000;
	s16 =	simm.s32 $0x1;
	s17 =	simm.s32 $0x0  }
0x5: {  	s5 =	sand.u32 $0x1, s1;
	s29 =	sshll.u32 s0, $0x1;
	s9 =	smul.u32 $0x14000, s0  }
0x6: {  	[smem:$0x7FF] =	sst s3;
	s4 =	sadd.s32 $0x19C00, s6;
	s11 =	smul.u32 $0x50000, s0  }
0x7: {  	s12 =	sshll.u32 s0, $0x6;
	s1 =	sor.u32 s5, s29;
	s8 =	smul.u32 $0x140000, s5  }
0x8: {  	s30 =	ssub.s32 $0x2, s5;
	s5 =	sadd.s32 $0x40E00, s6;
	s12 =	sor.u32 $0x1C02, s12  }
0x9: {  	s7 =	smul.u32 $0x500, s1;
	s1 =	rddreg [dreg:$0x2];
	_ =	strace $0x8000004D  }
0xa: {  	s10 =	sshrl.u32 s30, $0x1;
	s31 =	sshrl.u32 s11, $0x2;
	s11 =	simm.s32 $0x2800  }
0xb: {  	s8 =	sadd.s32 s9, s8;
	s9 =	ssub.s32 s30, s10;
	s13 =	sadd.s32 s31, s2  }
0xc: {  	s10 =	simm.s32 $0x2;
	s7 =	sadd.s32 s7, s6;
	s8 =	sshrl.u32 s8, $0x3  }
0xd: {  	s9 =	smax.u32 s9, $0x1;
	s13 =	sshrl.u32 s13, $0x3;
	s8 =	sadd.s32 s8, s6  }
0xe: {  	s6 =	sadd.s32 $0x5C00, s7;
	s7 =	sadd.s32 $0xFC00, s7;
	s8 =	sadd.s32 $0x43600, s8  }
.LBB2_1:
0xf: {  	[tilespmem:s3], [sflag:$0x2] =	stream.linear.gather [hbm4b:s6+s3], $0x2800, $0x38;
	[tilespmem:$0x1D000] =	vst v63  }
0x10: {  	_ =	swait.ge [sflag:s10], $0x2800  }
0x11: {  	[sflag:s10] =	ssyncset.done $0x0  }
0x12: {  	[sflag:s10] =	ssyncadd.s32 $0xFFFFD800  }
0x13: {  	[tilespmem:s11], [sflag:$0x2] =	stream.linear.gather [hbm4b:s7+s3], $0x2800, $0x38;
	[tilespmem:$0x1D000] =	vst v63  }
0x14: {  	_ =	swait.ge [sflag:s10], $0x2800  }
0x15: {  	[sflag:s10] =	ssyncset.done $0x0  }
0x16: {  	[sflag:s10] =	ssyncadd.s32 $0xFFFFD800  }
0x17: {  	[spmem:s13], [sflag:s12] =	dma.local [hbm:s5], $0x2800  }
0x18: {  	_ =	swait.ge [sflag:s10], $0x2800  }
0x19: {  	[sflag:s10] =	ssyncset.done $0x0  }
0x1a: {  	[sflag:s10] =	ssyncadd.s32 $0xFFFFD800  }
0x1b: {  	s18 =	simm.s32 $0x0;
	[bflag:$0x0] =	sbarrier.arrive $0xFFFF  }
0x1c: {  	[tilespmem:s15], [sflag:$0x1] =	stream.indirect.gather [hbm4b:s4+s14], $0x80, s18, s14, $0xb8;
	[tilespmem:$0x1D000] =	vst v63  }
0x1d: {  	_ =	swait.ge [sflag:s16], $0x3E80  }
0x1e: {  	[sflag:s16] =	ssyncset.done $0x0  }
0x1f: {  	s31 =	simm.s32 $0x2800;
	[sflag:s16] =	ssyncadd.s32 $0xFFFFC180  }
0x20: {  	[spmem:s2] =	stream.indirect.scatter.add.f32 [tilespmem:s15], [sflag:$0x2], $0x80, s31, s14, $0xb8;
	[tilespmem:$0x1D000] =	vst v63  }
0x21: {  	_ =	swait.ge [sflag:s10], $0x3E80  }
0x22: {  	s19 =	simm.s32 $0x400;
	s18 =	simm.s32 $0x200;
	[sflag:s10] =	ssyncset.done $0x0  }
.LBB2_2:
0x23: {  	s20 =	sshra.s32 s18, $0x2  }
0x24: {  	[sflag:s10] =	ssyncadd.s32 $0xFFFFC180;
	s18 =	smov.u32 s19;
	s21 =	sadd.s32 $0x200, s19  }
0x25: {  	[tilespmem:s15], [sflag:$0x1] =	stream.indirect.gather [hbm4b:s4+s14], $0x80, s20, s14, $0xb8;
	[tilespmem:$0x1D000] =	vst v63  }
0x26: {  	p0 =	sne.s32 s19, $0x9E00;
	_ =	swait.ge [sflag:s16], $0x3E80  }
.Ltmp0:
0x27: {  	[sflag:s16] =	ssyncset.done $0x0;
	(pc) =	sbr.rel @p0 .LBB2_2-.Ltmp0, $4  }
0x28: {  	s19 =	sadd.s32 $0x2800, s20;
	[sflag:s16] =	ssyncadd.s32 $0xFFFFC180  }
0x29: {  	[spmem:s2] =	stream.indirect.scatter.add.f32 [tilespmem:s15], [sflag:$0x2], $0x80, s19, s14, $0xb8;
	[tilespmem:$0x1D000] =	vst v63  }
0x2a: {  	_ =	swait.ge [sflag:s10], $0x3E80  }
0x2b: {  	s19 =	smov.u32 s21;
	[sflag:s10] =	ssyncset.done $0x0  }
0x2c: {  	s18 =	sshra.s32 s18, $0x2;
	[sflag:s10] =	ssyncadd.s32 $0xFFFFC180  }
0x2d: {  	[tilespmem:s15], [sflag:$0x1] =	stream.indirect.gather [hbm4b:s4+s14], $0x80, s18, s14, $0xb8;
	[tilespmem:$0x1D000] =	vst v63  }
0x2e: {  	_ =	swait.ge [sflag:s16], $0x3E80  }
0x2f: {  	[sflag:s16] =	ssyncset.done $0x0  }
0x30: {  	s18 =	sadd.s32 $0x2800, s18;
	[sflag:s16] =	ssyncadd.s32 $0xFFFFC180  }
0x31: {  	[spmem:s2] =	stream.indirect.scatter.add.f32 [tilespmem:s15], [sflag:$0x2], $0x80, s18, s14, $0xb8;
	[tilespmem:$0x1D000] =	vst v63  }
0x32: {  	_ =	swait.ge [sflag:s10], $0x3E80  }
0x33: {  	s17 =	sadd.s32 $0x1, s17;
	[sflag:s10] =	ssyncset.done $0x0  }
0x34: {  	p0 =	sne.s32 s17, s9;
	[sflag:s10] =	ssyncadd.s32 $0xFFFFC180  }
.Ltmp1:
0x35: {  	[bflag:$0x0] =	sbarrier.arrive $0xFFFF;
	(pc) =	sbr.rel @p0 .LBB2_1-.Ltmp1, $4  }
0x36: {  	[hbm:s8], [sflag:s12] =	dma.local [spmem:s13], $0x2800  }
0x37: {  	_ =	swait.ge [sflag:s10], $0x2800  }
0x38: {  	[sflag:s10] =	ssyncset.done $0x0  }
0x39: {  	[sflag:s10] =	ssyncadd.s32 $0xFFFFD800  }
0x3a: {  	_ =	sfence.sel $0x180000  }
0x3b: {  	[bflag:$0x0] =	sbarrier.arrive $0xFFFF  }
0x3c: {  	p0 =	sne.s32 s0, $0x0;
	_ =	strace $0x9000004D  }
0x3d: {  	s0 =	sadd.s32 @!p0 $0x100000, s1;
	[bflag:$0x2] =	sbarrier.arrive $0xFFFF  }
0x3e: {  	[sflag:s0] =	ssyncadd.tile.s32 @!p0 $0x1;
	_ =	shalt  }
.Lfunc_end2:
_tile_overlayer_lowered:
.L_overlay_start_2:
0x3f: {  	(tag) =	ssettag $0x2  }
0x40: {  	s0 =	rddreg [dreg:$0x0];
	s2 =	stileid.u32  }
0x41: {  	s1 =	rddreg [dreg:$0x1];
	p0 =	sne.s32 s2, $0x0  }
0x42: {  	s3 =	rddreg [dreg:$0x2];
	[bflag:$0x3] =	sbarrier.arrive $0xFFFF;
	s2 =	simm.s32 @!p0 $0x1C02  }
0x43: {  	[timem:s3], [sflag:s2] =	dma.local @!p0 [hbm:s0], s1  }
0x44: {  	s0 =	simm.s32 @!p0 $0x2  }
0x45: {  	_ =	swait.ge @!p0 [sflag:s0], s1  }
0x46: {  	s1 =	ssub.s32 @!p0 $0x0, s1;
	[sflag:s0] =	ssyncset.done @!p0 $0x0  }
0x47: {  	[sflag:s0] =	ssyncadd.s32 @!p0 s1  }
0x48: {  	[bflag:$0x3] =	sbarrier.arrive $0xFFFF  }
0x49: {  	_ =	shalt  }

</sc_bundles>
